<compile_context>
chip_gen: v7x
topology: tpu7x:2x2x1
jax: 0.10.2.dev20260603
libtpu: 0.0.44.dev20260713+nightly
codegen_flags: <defaults>
</compile_context>

<pallas_src>
import functools

import jax
import jax.numpy as jnp
from jax import lax
from jax.experimental import pallas as pl
from jax.experimental.pallas import tpu as pltpu
from jax.experimental.pallas import tpu_sc as plsc

B, L = 1024, 200
B_TOT = B * L
HID = 96
D = 32
NC, NS = 2, 16
NW = NC * NS
BPW = B_TOT // NW
BM = 4096

N_TESTS, N_QUESTIONS, N_TAGS = 10000, 100000, 1000
V_TEST, V_Q, V_TAG = N_TESTS + 1, N_QUESTIONS + 1, N_TAGS + 1
OFF_Q = V_TEST
OFF_TAG = V_TEST + V_Q
V_ALL = V_TEST + V_Q + V_TAG
V_PAD = ((V_ALL + 8 * NS - 1) // (8 * NS)) * (8 * NS)
RPS = V_PAD // NS


def _sc_gather(tab_all, idx):
    mesh = plsc.VectorSubcoreMesh(core_axis_name="c", subcore_axis_name="s")
    C = 320
    NCHUNK = BPW // C

    @functools.partial(
        pl.kernel,
        mesh=mesh,
        compiler_params=pltpu.CompilerParams(use_tc_tiling_on_sc=False),
        out_type=jax.ShapeDtypeStruct((3, B_TOT, D), jnp.bfloat16),
        scratch_types=[
            pltpu.VMEM_SHARED((V_PAD, D), jnp.bfloat16),
            pltpu.VMEM((3, C), jnp.int32),
            pltpu.VMEM((3, C, D), jnp.bfloat16),
            pltpu.SemaphoreType.DMA,
        ],
    )
    def k(tab_hbm, idx_hbm, out, tab_s, idx_v, rows_v, sem):
        sid = lax.axis_index("s")
        wid = sid * NC + lax.axis_index("c")
        base = wid * BPW
        pltpu.sync_copy(tab_hbm.at[pl.ds(sid * RPS, RPS)],
                        tab_s.at[pl.ds(sid * RPS, RPS)])
        plsc.subcore_barrier()

        def chunk(c, carry):
            cb = base + c * C
            for t in range(3):
                pltpu.sync_copy(idx_hbm.at[t, pl.ds(cb, C)], idx_v.at[t])
            handles = [
                pltpu.async_copy(tab_s.at[idx_v.at[t]], rows_v.at[t], sem)
                for t in range(3)
            ]
            for t in range(3):
                handles[t].wait()
                pltpu.sync_copy(rows_v.at[t], out.at[t, pl.ds(cb, C)])
            return carry

        lax.fori_loop(0, NCHUNK, chunk, 0)

    return k(tab_all, idx)


def _tc_proj(g, ii3, tab_int, w4, b_proj, ln_w, ln_b):

    def body(g_ref, ii_ref, ti_ref, w_ref, b_ref, lnw_ref, lnb_ref, o_ref):
        m = lax.dot_general(ti_ref[...], w_ref[0], (((1,), (0,)), ((), ())),
                            preferred_element_type=jnp.float32)
        m_bf = m.astype(jnp.bfloat16)
        R = BM // 8
        cols = lax.broadcasted_iota(jnp.int32, (R, 8), 1)
        for s in range(8):
            ii = ii_ref[0, s][:, None]
            oh = (ii == cols).astype(jnp.bfloat16)
            acc = lax.dot_general(
                oh, m_bf, (((1,), (0,)), ((), ())),
                preferred_element_type=jnp.float32)
            for t in range(3):
                acc = acc + lax.dot_general(
                    g_ref[t][:, s * D:(s + 1) * D], w_ref[t + 1],
                    (((1,), (0,)), ((), ())),
                    preferred_element_type=jnp.float32)
            x = acc + b_ref[0]
            mu = jnp.mean(x, axis=1, keepdims=True)
            xc = x - mu
            var = jnp.mean(xc * xc, axis=1, keepdims=True)
            o_ref[pl.Slice(s, R, 8), :] = (
                xc * lax.rsqrt(var + 1e-5) * lnw_ref[0] + lnb_ref[0])

    return pl.pallas_call(
        body,
        grid=(B_TOT // BM,),
        in_specs=[
            pl.BlockSpec((3, BM // 8, 8 * D), lambda i: (0, i, 0)),
            pl.BlockSpec((1, 8, BM // 8), lambda i: (i, 0, 0)),
            pl.BlockSpec((8, D), lambda i: (0, 0)),
            pl.BlockSpec((4, D, HID), lambda i: (0, 0, 0)),
            pl.BlockSpec((1, HID), lambda i: (0, 0)),
            pl.BlockSpec((1, HID), lambda i: (0, 0)),
            pl.BlockSpec((1, HID), lambda i: (0, 0)),
        ],
        out_specs=pl.BlockSpec((BM, HID), lambda i: (i, 0)),
        out_shape=jax.ShapeDtypeStruct((B_TOT, HID), jnp.float32),
    )(g, ii3, tab_int, w4, b_proj.reshape(1, HID), ln_w.reshape(1, HID),
      ln_b.reshape(1, HID))


def kernel(interaction, test, question, tag, correct, mask,
           emb_interaction, emb_test, emb_question, emb_tag,
           W_proj, b_proj, ln_w, ln_b):
    tab_all = jnp.concatenate([
        emb_test.astype(jnp.bfloat16),
        emb_question.astype(jnp.bfloat16),
        emb_tag.astype(jnp.bfloat16),
        jnp.zeros((V_PAD - V_ALL, D), jnp.bfloat16),
    ])
    idx = jnp.stack([
        test.reshape(-1),
        question.reshape(-1) + OFF_Q,
        tag.reshape(-1) + OFF_TAG,
    ]).astype(jnp.int32)
    g = _sc_gather(tab_all, idx).reshape(3, B_TOT // 8, 8 * D)
    ii3 = interaction.astype(jnp.int32).reshape(
        B_TOT // BM, BM // 8, 8).transpose(0, 2, 1)
    tab_int = jnp.zeros((8, D), jnp.bfloat16).at[:3].set(
        emb_interaction.astype(jnp.bfloat16))
    w4 = W_proj.reshape(HID, 4, D).transpose(1, 2, 0).astype(jnp.bfloat16)
    x = _tc_proj(g, ii3, tab_int, w4, b_proj, ln_w, ln_b)
    return (x.reshape(B, L, HID), interaction.shape[0])

# --- scband reference (transcript-rebuilt; emitter-appended) ---
"""Pipeline reference for scband-model-base-43894565765706 (READ-ONLY COPY).

The authoritative reference and input builder live on the scoring server;
editing this copy changes nothing except your own understanding.
"""

import jax, jax.numpy as jnp
import numpy as np

B, L = 1024, 200
HIDDEN = 96
INTD = HIDDEN // 3  # 32
N_TESTS, N_QUESTIONS, N_TAGS = 10000, 100000, 1000


def setup_inputs(seed: int = 0) -> dict:
    key = jax.random.key(seed)
    ks = jax.random.split(key, 16)
    interaction = jax.random.randint(ks[0], (B, L), 0, 3, dtype=jnp.int64 if jax.config.read('jax_enable_x64') else jnp.int32)
    test = jax.random.randint(ks[1], (B, L), 0, N_TESTS + 1)
    question = jax.random.randint(ks[2], (B, L), 0, N_QUESTIONS + 1)
    tag = jax.random.randint(ks[3], (B, L), 0, N_TAGS + 1)
    correct = jax.random.randint(ks[4], (B, L), 0, 2)
    mask = jax.random.randint(ks[5], (B, L), 0, 2)
    emb_interaction = jax.random.normal(ks[6], (3, INTD), dtype=jnp.float32)
    emb_test = jax.random.normal(ks[7], (N_TESTS + 1, INTD), dtype=jnp.float32)
    emb_question = jax.random.normal(ks[8], (N_QUESTIONS + 1, INTD), dtype=jnp.float32)
    emb_tag = jax.random.normal(ks[9], (N_TAGS + 1, INTD), dtype=jnp.float32)
    W_proj = jax.random.normal(ks[10], (HIDDEN, 4 * INTD), dtype=jnp.float32) * (1.0 / np.sqrt(4 * INTD))
    b_proj = jnp.zeros((HIDDEN,), dtype=jnp.float32)
    ln_w = jnp.ones((HIDDEN,), dtype=jnp.float32)
    ln_b = jnp.zeros((HIDDEN,), dtype=jnp.float32)
    return {
        'interaction': interaction, 'test': test, 'question': question, 'tag': tag,
        'correct': correct, 'mask': mask,
        'emb_interaction': emb_interaction, 'emb_test': emb_test,
        'emb_question': emb_question, 'emb_tag': emb_tag,
        'W_proj': W_proj, 'b_proj': b_proj, 'ln_w': ln_w, 'ln_b': ln_b,
    }


def reference(interaction, test, question, tag, correct, mask,
              emb_interaction, emb_test, emb_question, emb_tag,
              W_proj, b_proj, ln_w, ln_b):
    batch_size = interaction.shape[0]
    e_int = jnp.take(emb_interaction, interaction, axis=0)
    e_test = jnp.take(emb_test, test, axis=0)
    e_q = jnp.take(emb_question, question, axis=0)
    e_tag = jnp.take(emb_tag, tag, axis=0)
    embed = jnp.concatenate([e_int, e_test, e_q, e_tag], axis=2)
    X = embed @ W_proj.T + b_proj
    mu = jnp.mean(X, axis=-1, keepdims=True)
    var = jnp.mean((X - mu) ** 2, axis=-1, keepdims=True)
    X = (X - mu) / jnp.sqrt(var + 1e-5) * ln_w + ln_b
    return (X, batch_size)

if __name__ == "__main__":
    import jax
    _d = setup_inputs()
    print(jax.jit(kernel)(*tuple(_d.values())))

</pallas_src>

<mosaic_0001>
#map = affine_map<(d0, d1) -> (0, 0)>
#map1 = affine_map<(d0, d1) -> (0, 0, 0)>
module attributes {stable_mosaic.version = 14 : i64} {
  func.func @k(%arg0: i32, %arg1: i32, %arg2: memref<111104x32xbf16, #tpu.memory_space<hbm>>, %arg3: memref<3x204800xi32, #tpu.memory_space<hbm>>, %arg4: memref<3x204800x32xbf16, #tpu.memory_space<hbm>>, %arg5: memref<111104x32xbf16, #tpu.memory_space<vmem_shared>>, %arg6: memref<3x320xi32, #tpu.memory_space<vmem>>, %arg7: memref<3x320x32xbf16, #tpu.memory_space<vmem>>, %arg8: memref<!tpu.dma_semaphore, #tpu.memory_space<semaphore_mem>>) attributes {dimension_semantics = [#tpu.dimension_semantics<core_parallel>, #tpu.dimension_semantics<subcore_parallel>], iteration_bounds = array<i64: 2, 16>, scalar_prefetch = 0 : i64, scratch_operands = 4 : i64, tpu.core_type = #tpu.core_type<sc_vector_subcore>, window_params = [{transform_indices = #map}, {transform_indices = #map}, {transform_indices = #map1}]} {
    %mul3A = arith.constant 2 : i32
    %mul3A_0 = arith.muli %arg1, %mul3A : i32
    %add3A = arith.addi %mul3A_0, %arg0 : i32
    %mul3A_1 = arith.constant 6400 : i32
    %mul3A_2 = arith.muli %add3A, %mul3A_1 : i32
    %mul3A_3 = arith.constant 6944 : i32
    %mul3A_4 = arith.muli %arg1, %mul3A_3 : i32
    %mul3A_5 = arith.constant 6944 : i32
    %mul3A_6 = arith.muli %arg1, %mul3A_5 : i32
    "tpu.region"() ({
      %run_scoped3A = tpu.sem_alloc : memref<!tpu.dma_semaphore, #tpu.memory_space<semaphore_mem>>
      %dma_start3A = arith.constant 0 : i32
      %dma_start3A_12 = tpu.memref_slice %arg5[%mul3A_6, %dma_start3A] : memref<111104x32xbf16, #tpu.memory_space<vmem_shared>> -> memref<6944x32xbf16, #tpu.memory_space<vmem_shared>>
      %dma_start3A_13 = arith.constant 0 : i32
      %dma_start3A_14 = tpu.memref_slice %arg2[%mul3A_4, %dma_start3A_13] : memref<111104x32xbf16, #tpu.memory_space<hbm>> -> memref<6944x32xbf16, #tpu.memory_space<hbm>>
      tpu.enqueue_dma source(%dma_start3A_14 : memref<6944x32xbf16, #tpu.memory_space<hbm>>) target(%dma_start3A_12 : memref<6944x32xbf16, #tpu.memory_space<vmem_shared>>) target_semaphore(%run_scoped3A : memref<!tpu.dma_semaphore, #tpu.memory_space<semaphore_mem>>)
      %dma_wait3A = arith.constant 0 : i32
      %dma_wait3A_15 = tpu.memref_slice %arg5[%mul3A_6, %dma_wait3A] : memref<111104x32xbf16, #tpu.memory_space<vmem_shared>> -> memref<6944x32xbf16, #tpu.memory_space<vmem_shared>>
      %dma_wait3A_16 = arith.constant 0 : i32
      %dma_wait3A_17 = tpu.memref_slice %arg2[%mul3A_4, %dma_wait3A_16] : memref<111104x32xbf16, #tpu.memory_space<hbm>> -> memref<6944x32xbf16, #tpu.memory_space<hbm>>
      tpu.wait_dma2 semaphore(%run_scoped3A : memref<!tpu.dma_semaphore, #tpu.memory_space<semaphore_mem>>) src(%dma_wait3A_17 : memref<6944x32xbf16, #tpu.memory_space<hbm>>) dst(%dma_wait3A_15 : memref<6944x32xbf16, #tpu.memory_space<vmem_shared>>)
      tpu.yield
    }) : () -> ()
    %barrier3A = arith.constant 0 : index
    tpu.barrier barrier_id(%barrier3A)
    %scan3A = arith.constant 0 : i32
    %scan3A_7 = arith.constant 0 : i32
    %scan3A_8 = arith.constant 20 : i32
    %scan3A_9 = arith.addi %scan3A_7, %scan3A_8 : i32
    %scan3A_10 = arith.constant 1 : i32
    scf.for %scan3A_12 = %scan3A_7 to %scan3A_9 step %scan3A_10  : i32 {
      %mul3A_13 = arith.constant 320 : i32
      %mul3A_14 = arith.muli %scan3A_12, %mul3A_13 : i32
      %add3A_15 = arith.addi %mul3A_2, %mul3A_14 : i32
      %run_scoped3A = arith.constant 0 : i32
      %run_scoped3A_16 = arith.constant 0 : i32
      "tpu.region"() ({
        %run_scoped3A_97 = tpu.sem_alloc : memref<!tpu.dma_semaphore, #tpu.memory_space<semaphore_mem>>
        %dma_start3A_98 = arith.constant 0 : i32
        %dma_start3A_99 = tpu.memref_slice %arg6[%run_scoped3A_16, %dma_start3A_98] : memref<3x320xi32, #tpu.memory_space<vmem>> -> memref<1x320xi32, #tpu.memory_space<vmem>>
        %dma_start3A_100 = tpu.memref_squeeze %dma_start3A_99 : memref<1x320xi32, #tpu.memory_space<vmem>> -> memref<320xi32, #tpu.memory_space<vmem>>
        %dma_start3A_101 = tpu.memref_slice %arg3[%run_scoped3A, %add3A_15] : memref<3x204800xi32, #tpu.memory_space<hbm>> -> memref<1x320xi32, #tpu.memory_space<hbm>>
        %dma_start3A_102 = tpu.memref_squeeze %dma_start3A_101 : memref<1x320xi32, #tpu.memory_space<hbm>> -> memref<320xi32, #tpu.memory_space<hbm>>
        %dma_start3A_103 = arith.constant 0 : i32
        %dma_start3A_104 = tpu.memref_slice %arg6[%run_scoped3A_16, %dma_start3A_103] : memref<3x320xi32, #tpu.memory_space<vmem>> -> memref<1x320xi32, #tpu.memory_space<vmem>>
        %dma_start3A_105 = tpu.memref_squeeze %dma_start3A_104 : memref<1x320xi32, #tpu.memory_space<vmem>> -> memref<320xi32, #tpu.memory_space<vmem>>
        %dma_start3A_106 = tpu.memref_slice %arg3[%run_scoped3A, %add3A_15] : memref<3x204800xi32, #tpu.memory_space<hbm>> -> memref<1x320xi32, #tpu.memory_space<hbm>>
        %dma_start3A_107 = tpu.memref_squeeze %dma_start3A_106 : memref<1x320xi32, #tpu.memory_space<hbm>> -> memref<320xi32, #tpu.memory_space<hbm>>
        tpu.enqueue_dma source(%dma_start3A_107 : memref<320xi32, #tpu.memory_space<hbm>>) target(%dma_start3A_105 : memref<320xi32, #tpu.memory_space<vmem>>) target_semaphore(%run_scoped3A_97 : memref<!tpu.dma_semaphore, #tpu.memory_space<semaphore_mem>>)
        %dma_wait3A_108 = arith.constant 0 : i32
        %dma_wait3A_109 = tpu.memref_slice %arg6[%run_scoped3A_16, %dma_wait3A_108] : memref<3x320xi32, #tpu.memory_space<vmem>> -> memref<1x320xi32, #tpu.memory_space<vmem>>
        %dma_wait3A_110 = tpu.memref_squeeze %dma_wait3A_109 : memref<1x320xi32, #tpu.memory_space<vmem>> -> memref<320xi32, #tpu.memory_space<vmem>>
        %dma_wait3A_111 = tpu.memref_slice %arg3[%run_scoped3A, %add3A_15] : memref<3x204800xi32, #tpu.memory_space<hbm>> -> memref<1x320xi32, #tpu.memory_space<hbm>>
        %dma_wait3A_112 = tpu.memref_squeeze %dma_wait3A_111 : memref<1x320xi32, #tpu.memory_space<hbm>> -> memref<320xi32, #tpu.memory_space<hbm>>
        %dma_wait3A_113 = arith.constant 0 : i32
        %dma_wait3A_114 = tpu.memref_slice %arg6[%run_scoped3A_16, %dma_wait3A_113] : memref<3x320xi32, #tpu.memory_space<vmem>> -> memref<1x320xi32, #tpu.memory_space<vmem>>
        %dma_wait3A_115 = tpu.memref_squeeze %dma_wait3A_114 : memref<1x320xi32, #tpu.memory_space<vmem>> -> memref<320xi32, #tpu.memory_space<vmem>>
        %dma_wait3A_116 = tpu.memref_slice %arg3[%run_scoped3A, %add3A_15] : memref<3x204800xi32, #tpu.memory_space<hbm>> -> memref<1x320xi32, #tpu.memory_space<hbm>>
        %dma_wait3A_117 = tpu.memref_squeeze %dma_wait3A_116 : memref<1x320xi32, #tpu.memory_space<hbm>> -> memref<320xi32, #tpu.memory_space<hbm>>
        tpu.wait_dma2 semaphore(%run_scoped3A_97 : memref<!tpu.dma_semaphore, #tpu.memory_space<semaphore_mem>>) src(%dma_wait3A_117 : memref<320xi32, #tpu.memory_space<hbm>>) dst(%dma_wait3A_115 : memref<320xi32, #tpu.memory_space<vmem>>)
        tpu.yield
      }) : () -> ()
      %run_scoped3A_17 = arith.constant 1 : i32
      %run_scoped3A_18 = arith.constant 1 : i32
      "tpu.region"() ({
        %run_scoped3A_97 = tpu.sem_alloc : memref<!tpu.dma_semaphore, #tpu.memory_space<semaphore_mem>>
        %dma_start3A_98 = arith.constant 0 : i32
        %dma_start3A_99 = tpu.memref_slice %arg6[%run_scoped3A_18, %dma_start3A_98] : memref<3x320xi32, #tpu.memory_space<vmem>> -> memref<1x320xi32, #tpu.memory_space<vmem>>
        %dma_start3A_100 = tpu.memref_squeeze %dma_start3A_99 : memref<1x320xi32, #tpu.memory_space<vmem>> -> memref<320xi32, #tpu.memory_space<vmem>>
        %dma_start3A_101 = tpu.memref_slice %arg3[%run_scoped3A_17, %add3A_15] : memref<3x204800xi32, #tpu.memory_space<hbm>> -> memref<1x320xi32, #tpu.memory_space<hbm>>
        %dma_start3A_102 = tpu.memref_squeeze %dma_start3A_101 : memref<1x320xi32, #tpu.memory_space<hbm>> -> memref<320xi32, #tpu.memory_space<hbm>>
        %dma_start3A_103 = arith.constant 0 : i32
        %dma_start3A_104 = tpu.memref_slice %arg6[%run_scoped3A_18, %dma_start3A_103] : memref<3x320xi32, #tpu.memory_space<vmem>> -> memref<1x320xi32, #tpu.memory_space<vmem>>
        %dma_start3A_105 = tpu.memref_squeeze %dma_start3A_104 : memref<1x320xi32, #tpu.memory_space<vmem>> -> memref<320xi32, #tpu.memory_space<vmem>>
        %dma_start3A_106 = tpu.memref_slice %arg3[%run_scoped3A_17, %add3A_15] : memref<3x204800xi32, #tpu.memory_space<hbm>> -> memref<1x320xi32, #tpu.memory_space<hbm>>
        %dma_start3A_107 = tpu.memref_squeeze %dma_start3A_106 : memref<1x320xi32, #tpu.memory_space<hbm>> -> memref<320xi32, #tpu.memory_space<hbm>>
        tpu.enqueue_dma source(%dma_start3A_107 : memref<320xi32, #tpu.memory_space<hbm>>) target(%dma_start3A_105 : memref<320xi32, #tpu.memory_space<vmem>>) target_semaphore(%run_scoped3A_97 : memref<!tpu.dma_semaphore, #tpu.memory_space<semaphore_mem>>)
        %dma_wait3A_108 = arith.constant 0 : i32
        %dma_wait3A_109 = tpu.memref_slice %arg6[%run_scoped3A_18, %dma_wait3A_108] : memref<3x320xi32, #tpu.memory_space<vmem>> -> memref<1x320xi32, #tpu.memory_space<vmem>>
        %dma_wait3A_110 = tpu.memref_squeeze %dma_wait3A_109 : memref<1x320xi32, #tpu.memory_space<vmem>> -> memref<320xi32, #tpu.memory_space<vmem>>
        %dma_wait3A_111 = tpu.memref_slice %arg3[%run_scoped3A_17, %add3A_15] : memref<3x204800xi32, #tpu.memory_space<hbm>> -> memref<1x320xi32, #tpu.memory_space<hbm>>
        %dma_wait3A_112 = tpu.memref_squeeze %dma_wait3A_111 : memref<1x320xi32, #tpu.memory_space<hbm>> -> memref<320xi32, #tpu.memory_space<hbm>>
        %dma_wait3A_113 = arith.constant 0 : i32
        %dma_wait3A_114 = tpu.memref_slice %arg6[%run_scoped3A_18, %dma_wait3A_113] : memref<3x320xi32, #tpu.memory_space<vmem>> -> memref<1x320xi32, #tpu.memory_space<vmem>>
        %dma_wait3A_115 = tpu.memref_squeeze %dma_wait3A_114 : memref<1x320xi32, #tpu.memory_space<vmem>> -> memref<320xi32, #tpu.memory_space<vmem>>
        %dma_wait3A_116 = tpu.memref_slice %arg3[%run_scoped3A_17, %add3A_15] : memref<3x204800xi32, #tpu.memory_space<hbm>> -> memref<1x320xi32, #tpu.memory_space<hbm>>
        %dma_wait3A_117 = tpu.memref_squeeze %dma_wait3A_116 : memref<1x320xi32, #tpu.memory_space<hbm>> -> memref<320xi32, #tpu.memory_space<hbm>>
        tpu.wait_dma2 semaphore(%run_scoped3A_97 : memref<!tpu.dma_semaphore, #tpu.memory_space<semaphore_mem>>) src(%dma_wait3A_117 : memref<320xi32, #tpu.memory_space<hbm>>) dst(%dma_wait3A_115 : memref<320xi32, #tpu.memory_space<vmem>>)
        tpu.yield
      }) : () -> ()
      %run_scoped3A_19 = arith.constant 2 : i32
      %run_scoped3A_20 = arith.constant 2 : i32
      "tpu.region"() ({
        %run_scoped3A_97 = tpu.sem_alloc : memref<!tpu.dma_semaphore, #tpu.memory_space<semaphore_mem>>
        %dma_start3A_98 = arith.constant 0 : i32
        %dma_start3A_99 = tpu.memref_slice %arg6[%run_scoped3A_20, %dma_start3A_98] : memref<3x320xi32, #tpu.memory_space<vmem>> -> memref<1x320xi32, #tpu.memory_space<vmem>>
        %dma_start3A_100 = tpu.memref_squeeze %dma_start3A_99 : memref<1x320xi32, #tpu.memory_space<vmem>> -> memref<320xi32, #tpu.memory_space<vmem>>
        %dma_start3A_101 = tpu.memref_slice %arg3[%run_scoped3A_19, %add3A_15] : memref<3x204800xi32, #tpu.memory_space<hbm>> -> memref<1x320xi32, #tpu.memory_space<hbm>>
        %dma_start3A_102 = tpu.memref_squeeze %dma_start3A_101 : memref<1x320xi32, #tpu.memory_space<hbm>> -> memref<320xi32, #tpu.memory_space<hbm>>
        %dma_start3A_103 = arith.constant 0 : i32
        %dma_start3A_104 = tpu.memref_slice %arg6[%run_scoped3A_20, %dma_start3A_103] : memref<3x320xi32, #tpu.memory_space<vmem>> -> memref<1x320xi32, #tpu.memory_space<vmem>>
        %dma_start3A_105 = tpu.memref_squeeze %dma_start3A_104 : memref<1x320xi32, #tpu.memory_space<vmem>> -> memref<320xi32, #tpu.memory_space<vmem>>
        %dma_start3A_106 = tpu.memref_slice %arg3[%run_scoped3A_19, %add3A_15] : memref<3x204800xi32, #tpu.memory_space<hbm>> -> memref<1x320xi32, #tpu.memory_space<hbm>>
        %dma_start3A_107 = tpu.memref_squeeze %dma_start3A_106 : memref<1x320xi32, #tpu.memory_space<hbm>> -> memref<320xi32, #tpu.memory_space<hbm>>
        tpu.enqueue_dma source(%dma_start3A_107 : memref<320xi32, #tpu.memory_space<hbm>>) target(%dma_start3A_105 : memref<320xi32, #tpu.memory_space<vmem>>) target_semaphore(%run_scoped3A_97 : memref<!tpu.dma_semaphore, #tpu.memory_space<semaphore_mem>>)
        %dma_wait3A_108 = arith.constant 0 : i32
        %dma_wait3A_109 = tpu.memref_slice %arg6[%run_scoped3A_20, %dma_wait3A_108] : memref<3x320xi32, #tpu.memory_space<vmem>> -> memref<1x320xi32, #tpu.memory_space<vmem>>
        %dma_wait3A_110 = tpu.memref_squeeze %dma_wait3A_109 : memref<1x320xi32, #tpu.memory_space<vmem>> -> memref<320xi32, #tpu.memory_space<vmem>>
        %dma_wait3A_111 = tpu.memref_slice %arg3[%run_scoped3A_19, %add3A_15] : memref<3x204800xi32, #tpu.memory_space<hbm>> -> memref<1x320xi32, #tpu.memory_space<hbm>>
        %dma_wait3A_112 = tpu.memref_squeeze %dma_wait3A_111 : memref<1x320xi32, #tpu.memory_space<hbm>> -> memref<320xi32, #tpu.memory_space<hbm>>
        %dma_wait3A_113 = arith.constant 0 : i32
        %dma_wait3A_114 = tpu.memref_slice %arg6[%run_scoped3A_20, %dma_wait3A_113] : memref<3x320xi32, #tpu.memory_space<vmem>> -> memref<1x320xi32, #tpu.memory_space<vmem>>
        %dma_wait3A_115 = tpu.memref_squeeze %dma_wait3A_114 : memref<1x320xi32, #tpu.memory_space<vmem>> -> memref<320xi32, #tpu.memory_space<vmem>>
        %dma_wait3A_116 = tpu.memref_slice %arg3[%run_scoped3A_19, %add3A_15] : memref<3x204800xi32, #tpu.memory_space<hbm>> -> memref<1x320xi32, #tpu.memory_space<hbm>>
        %dma_wait3A_117 = tpu.memref_squeeze %dma_wait3A_116 : memref<1x320xi32, #tpu.memory_space<hbm>> -> memref<320xi32, #tpu.memory_space<hbm>>
        tpu.wait_dma2 semaphore(%run_scoped3A_97 : memref<!tpu.dma_semaphore, #tpu.memory_space<semaphore_mem>>) src(%dma_wait3A_117 : memref<320xi32, #tpu.memory_space<hbm>>) dst(%dma_wait3A_115 : memref<320xi32, #tpu.memory_space<vmem>>)
        tpu.yield
      }) : () -> ()
      %dma_start3A = arith.constant 0 : i32
      %dma_start3A_21 = arith.constant 0 : i32
      %dma_start3A_22 = arith.constant 0 : i32
      %dma_start3A_23 = arith.constant 0 : i32
      %dma_start3A_24 = tpu.memref_slice %arg7[%dma_start3A_21, %dma_start3A_22, %dma_start3A_23] : memref<3x320x32xbf16, #tpu.memory_space<vmem>> -> memref<1x320x32xbf16, #tpu.memory_space<vmem>>
      %dma_start3A_25 = tpu.memref_squeeze %dma_start3A_24 : memref<1x320x32xbf16, #tpu.memory_space<vmem>> -> memref<320x32xbf16, #tpu.memory_space<vmem>>
      %dma_start3A_26 = arith.constant 0 : i32
      %dma_start3A_27 = tpu.memref_slice %arg6[%dma_start3A, %dma_start3A_26] : memref<3x320xi32, #tpu.memory_space<vmem>> -> memref<1x320xi32, #tpu.memory_space<vmem>>
      %dma_start3A_28 = tpu.memref_squeeze %dma_start3A_27 : memref<1x320xi32, #tpu.memory_space<vmem>> -> memref<320xi32, #tpu.memory_space<vmem>>
      %dma_start3A_29 = arith.constant 0 : i32
      %dma_start3A_30 = arith.constant 0 : i32
      %dma_start3A_31 = tpu.memref_slice %arg5[%dma_start3A_29, %dma_start3A_30] : memref<111104x32xbf16, #tpu.memory_space<vmem_shared>> -> memref<111104x32xbf16, #tpu.memory_space<vmem_shared>>
      tpu.enqueue_indirect_dma source(%dma_start3A_31 : memref<111104x32xbf16, #tpu.memory_space<vmem_shared>>) target(%dma_start3A_25 : memref<320x32xbf16, #tpu.memory_space<vmem>>) offsets(%dma_start3A_28 : memref<320xi32, #tpu.memory_space<vmem>>) semaphore(%arg8 : memref<!tpu.dma_semaphore, #tpu.memory_space<semaphore_mem>>)
      %dma_start3A_32 = arith.constant 1 : i32
      %dma_start3A_33 = arith.constant 1 : i32
      %dma_start3A_34 = arith.constant 0 : i32
      %dma_start3A_35 = arith.constant 0 : i32
      %dma_start3A_36 = tpu.memref_slice %arg7[%dma_start3A_33, %dma_start3A_34, %dma_start3A_35] : memref<3x320x32xbf16, #tpu.memory_space<vmem>> -> memref<1x320x32xbf16, #tpu.memory_space<vmem>>
      %dma_start3A_37 = tpu.memref_squeeze %dma_start3A_36 : memref<1x320x32xbf16, #tpu.memory_space<vmem>> -> memref<320x32xbf16, #tpu.memory_space<vmem>>
      %dma_start3A_38 = arith.constant 0 : i32
      %dma_start3A_39 = tpu.memref_slice %arg6[%dma_start3A_32, %dma_start3A_38] : memref<3x320xi32, #tpu.memory_space<vmem>> -> memref<1x320xi32, #tpu.memory_space<vmem>>
      %dma_start3A_40 = tpu.memref_squeeze %dma_start3A_39 : memref<1x320xi32, #tpu.memory_space<vmem>> -> memref<320xi32, #tpu.memory_space<vmem>>
      %dma_start3A_41 = arith.constant 0 : i32
      %dma_start3A_42 = arith.constant 0 : i32
      %dma_start3A_43 = tpu.memref_slice %arg5[%dma_start3A_41, %dma_start3A_42] : memref<111104x32xbf16, #tpu.memory_space<vmem_shared>> -> memref<111104x32xbf16, #tpu.memory_space<vmem_shared>>
      tpu.enqueue_indirect_dma source(%dma_start3A_43 : memref<111104x32xbf16, #tpu.memory_space<vmem_shared>>) target(%dma_start3A_37 : memref<320x32xbf16, #tpu.memory_space<vmem>>) offsets(%dma_start3A_40 : memref<320xi32, #tpu.memory_space<vmem>>) semaphore(%arg8 : memref<!tpu.dma_semaphore, #tpu.memory_space<semaphore_mem>>)
      %dma_start3A_44 = arith.constant 2 : i32
      %dma_start3A_45 = arith.constant 2 : i32
      %dma_start3A_46 = arith.constant 0 : i32
      %dma_start3A_47 = arith.constant 0 : i32
      %dma_start3A_48 = tpu.memref_slice %arg7[%dma_start3A_45, %dma_start3A_46, %dma_start3A_47] : memref<3x320x32xbf16, #tpu.memory_space<vmem>> -> memref<1x320x32xbf16, #tpu.memory_space<vmem>>
      %dma_start3A_49 = tpu.memref_squeeze %dma_start3A_48 : memref<1x320x32xbf16, #tpu.memory_space<vmem>> -> memref<320x32xbf16, #tpu.memory_space<vmem>>
      %dma_start3A_50 = arith.constant 0 : i32
      %dma_start3A_51 = tpu.memref_slice %arg6[%dma_start3A_44, %dma_start3A_50] : memref<3x320xi32, #tpu.memory_space<vmem>> -> memref<1x320xi32, #tpu.memory_space<vmem>>
      %dma_start3A_52 = tpu.memref_squeeze %dma_start3A_51 : memref<1x320xi32, #tpu.memory_space<vmem>> -> memref<320xi32, #tpu.memory_space<vmem>>
      %dma_start3A_53 = arith.constant 0 : i32
      %dma_start3A_54 = arith.constant 0 : i32
      %dma_start3A_55 = tpu.memref_slice %arg5[%dma_start3A_53, %dma_start3A_54] : memref<111104x32xbf16, #tpu.memory_space<vmem_shared>> -> memref<111104x32xbf16, #tpu.memory_space<vmem_shared>>
      tpu.enqueue_indirect_dma source(%dma_start3A_55 : memref<111104x32xbf16, #tpu.memory_space<vmem_shared>>) target(%dma_start3A_49 : memref<320x32xbf16, #tpu.memory_space<vmem>>) offsets(%dma_start3A_52 : memref<320xi32, #tpu.memory_space<vmem>>) semaphore(%arg8 : memref<!tpu.dma_semaphore, #tpu.memory_space<semaphore_mem>>)
      %dma_wait3A = arith.constant 0 : i32
      %dma_wait3A_56 = arith.constant 0 : i32
      %dma_wait3A_57 = arith.constant 0 : i32
      %dma_wait3A_58 = arith.constant 0 : i32
      %dma_wait3A_59 = tpu.memref_slice %arg7[%dma_wait3A_56, %dma_wait3A_57, %dma_wait3A_58] : memref<3x320x32xbf16, #tpu.memory_space<vmem>> -> memref<1x320x32xbf16, #tpu.memory_space<vmem>>
      %dma_wait3A_60 = tpu.memref_squeeze %dma_wait3A_59 : memref<1x320x32xbf16, #tpu.memory_space<vmem>> -> memref<320x32xbf16, #tpu.memory_space<vmem>>
      %dma_wait3A_61 = arith.constant 0 : i32
      %dma_wait3A_62 = tpu.memref_slice %arg6[%dma_wait3A, %dma_wait3A_61] : memref<3x320xi32, #tpu.memory_space<vmem>> -> memref<1x320xi32, #tpu.memory_space<vmem>>
      %dma_wait3A_63 = tpu.memref_squeeze %dma_wait3A_62 : memref<1x320xi32, #tpu.memory_space<vmem>> -> memref<320xi32, #tpu.memory_space<vmem>>
      %dma_wait3A_64 = arith.constant 0 : i32
      %dma_wait3A_65 = arith.constant 0 : i32
      %dma_wait3A_66 = tpu.memref_slice %arg5[%dma_wait3A_64, %dma_wait3A_65] : memref<111104x32xbf16, #tpu.memory_space<vmem_shared>> -> memref<111104x32xbf16, #tpu.memory_space<vmem_shared>>
      tpu.wait_indirect_dma semaphore(%arg8 : memref<!tpu.dma_semaphore, #tpu.memory_space<semaphore_mem>>) src(%dma_wait3A_66 : memref<111104x32xbf16, #tpu.memory_space<vmem_shared>>) dst(%dma_wait3A_60 : memref<320x32xbf16, #tpu.memory_space<vmem>>)
      %run_scoped3A_67 = arith.constant 0 : i32
      %run_scoped3A_68 = arith.constant 0 : i32
      "tpu.region"() ({
        %run_scoped3A_97 = tpu.sem_alloc : memref<!tpu.dma_semaphore, #tpu.memory_space<semaphore_mem>>
        %dma_start3A_98 = arith.constant 0 : i32
        %dma_start3A_99 = arith.constant 0 : i32
        %dma_start3A_100 = tpu.memref_slice %arg7[%run_scoped3A_67, %dma_start3A_98, %dma_start3A_99] : memref<3x320x32xbf16, #tpu.memory_space<vmem>> -> memref<1x320x32xbf16, #tpu.memory_space<vmem>>
        %dma_start3A_101 = tpu.memref_squeeze %dma_start3A_100 : memref<1x320x32xbf16, #tpu.memory_space<vmem>> -> memref<320x32xbf16, #tpu.memory_space<vmem>>
        %dma_start3A_102 = arith.constant 0 : i32
        %dma_start3A_103 = tpu.memref_slice %arg4[%run_scoped3A_68, %add3A_15, %dma_start3A_102] : memref<3x204800x32xbf16, #tpu.memory_space<hbm>> -> memref<1x320x32xbf16, #tpu.memory_space<hbm>>
        %dma_start3A_104 = tpu.memref_squeeze %dma_start3A_103 : memref<1x320x32xbf16, #tpu.memory_space<hbm>> -> memref<320x32xbf16, #tpu.memory_space<hbm>>
        %dma_start3A_105 = arith.constant 0 : i32
        %dma_start3A_106 = tpu.memref_slice %arg4[%run_scoped3A_68, %add3A_15, %dma_start3A_105] : memref<3x204800x32xbf16, #tpu.memory_space<hbm>> -> memref<1x320x32xbf16, #tpu.memory_space<hbm>>
        %dma_start3A_107 = tpu.memref_squeeze %dma_start3A_106 : memref<1x320x32xbf16, #tpu.memory_space<hbm>> -> memref<320x32xbf16, #tpu.memory_space<hbm>>
        %dma_start3A_108 = arith.constant 0 : i32
        %dma_start3A_109 = arith.constant 0 : i32
        %dma_start3A_110 = tpu.memref_slice %arg7[%run_scoped3A_67, %dma_start3A_108, %dma_start3A_109] : memref<3x320x32xbf16, #tpu.memory_space<vmem>> -> memref<1x320x32xbf16, #tpu.memory_space<vmem>>
        %dma_start3A_111 = tpu.memref_squeeze %dma_start3A_110 : memref<1x320x32xbf16, #tpu.memory_space<vmem>> -> memref<320x32xbf16, #tpu.memory_space<vmem>>
        tpu.enqueue_dma source(%dma_start3A_111 : memref<320x32xbf16, #tpu.memory_space<vmem>>) target(%dma_start3A_107 : memref<320x32xbf16, #tpu.memory_space<hbm>>) target_semaphore(%run_scoped3A_97 : memref<!tpu.dma_semaphore, #tpu.memory_space<semaphore_mem>>)
        %dma_wait3A_112 = arith.constant 0 : i32
        %dma_wait3A_113 = arith.constant 0 : i32
        %dma_wait3A_114 = tpu.memref_slice %arg7[%run_scoped3A_67, %dma_wait3A_112, %dma_wait3A_113] : memref<3x320x32xbf16, #tpu.memory_space<vmem>> -> memref<1x320x32xbf16, #tpu.memory_space<vmem>>
        %dma_wait3A_115 = tpu.memref_squeeze %dma_wait3A_114 : memref<1x320x32xbf16, #tpu.memory_space<vmem>> -> memref<320x32xbf16, #tpu.memory_space<vmem>>
        %dma_wait3A_116 = arith.constant 0 : i32
        %dma_wait3A_117 = tpu.memref_slice %arg4[%run_scoped3A_68, %add3A_15, %dma_wait3A_116] : memref<3x204800x32xbf16, #tpu.memory_space<hbm>> -> memref<1x320x32xbf16, #tpu.memory_space<hbm>>
        %dma_wait3A_118 = tpu.memref_squeeze %dma_wait3A_117 : memref<1x320x32xbf16, #tpu.memory_space<hbm>> -> memref<320x32xbf16, #tpu.memory_space<hbm>>
        %dma_wait3A_119 = arith.constant 0 : i32
        %dma_wait3A_120 = tpu.memref_slice %arg4[%run_scoped3A_68, %add3A_15, %dma_wait3A_119] : memref<3x204800x32xbf16, #tpu.memory_space<hbm>> -> memref<1x320x32xbf16, #tpu.memory_space<hbm>>
        %dma_wait3A_121 = tpu.memref_squeeze %dma_wait3A_120 : memref<1x320x32xbf16, #tpu.memory_space<hbm>> -> memref<320x32xbf16, #tpu.memory_space<hbm>>
        %dma_wait3A_122 = arith.constant 0 : i32
        %dma_wait3A_123 = arith.constant 0 : i32
        %dma_wait3A_124 = tpu.memref_slice %arg7[%run_scoped3A_67, %dma_wait3A_122, %dma_wait3A_123] : memref<3x320x32xbf16, #tpu.memory_space<vmem>> -> memref<1x320x32xbf16, #tpu.memory_space<vmem>>
        %dma_wait3A_125 = tpu.memref_squeeze %dma_wait3A_124 : memref<1x320x32xbf16, #tpu.memory_space<vmem>> -> memref<320x32xbf16, #tpu.memory_space<vmem>>
        tpu.wait_dma2 semaphore(%run_scoped3A_97 : memref<!tpu.dma_semaphore, #tpu.memory_space<semaphore_mem>>) src(%dma_wait3A_125 : memref<320x32xbf16, #tpu.memory_space<vmem>>) dst(%dma_wait3A_121 : memref<320x32xbf16, #tpu.memory_space<hbm>>)
        tpu.yield
      }) : () -> ()
      %dma_wait3A_69 = arith.constant 1 : i32
      %dma_wait3A_70 = arith.constant 1 : i32
      %dma_wait3A_71 = arith.constant 0 : i32
      %dma_wait3A_72 = arith.constant 0 : i32
      %dma_wait3A_73 = tpu.memref_slice %arg7[%dma_wait3A_70, %dma_wait3A_71, %dma_wait3A_72] : memref<3x320x32xbf16, #tpu.memory_space<vmem>> -> memref<1x320x32xbf16, #tpu.memory_space<vmem>>
      %dma_wait3A_74 = tpu.memref_squeeze %dma_wait3A_73 : memref<1x320x32xbf16, #tpu.memory_space<vmem>> -> memref<320x32xbf16, #tpu.memory_space<vmem>>
      %dma_wait3A_75 = arith.constant 0 : i32
      %dma_wait3A_76 = tpu.memref_slice %arg6[%dma_wait3A_69, %dma_wait3A_75] : memref<3x320xi32, #tpu.memory_space<vmem>> -> memref<1x320xi32, #tpu.memory_space<vmem>>
      %dma_wait3A_77 = tpu.memref_squeeze %dma_wait3A_76 : memref<1x320xi32, #tpu.memory_space<vmem>> -> memref<320xi32, #tpu.memory_space<vmem>>
      %dma_wait3A_78 = arith.constant 0 : i32
      %dma_wait3A_79 = arith.constant 0 : i32
      %dma_wait3A_80 = tpu.memref_slice %arg5[%dma_wait3A_78, %dma_wait3A_79] : memref<111104x32xbf16, #tpu.memory_space<vmem_shared>> -> memref<111104x32xbf16, #tpu.memory_space<vmem_shared>>
      tpu.wait_indirect_dma semaphore(%arg8 : memref<!tpu.dma_semaphore, #tpu.memory_space<semaphore_mem>>) src(%dma_wait3A_80 : memref<111104x32xbf16, #tpu.memory_space<vmem_shared>>) dst(%dma_wait3A_74 : memref<320x32xbf16, #tpu.memory_space<vmem>>)
      %run_scoped3A_81 = arith.constant 1 : i32
      %run_scoped3A_82 = arith.constant 1 : i32
      "tpu.region"() ({
        %run_scoped3A_97 = tpu.sem_alloc : memref<!tpu.dma_semaphore, #tpu.memory_space<semaphore_mem>>
        %dma_start3A_98 = arith.constant 0 : i32
        %dma_start3A_99 = arith.constant 0 : i32
        %dma_start3A_100 = tpu.memref_slice %arg7[%run_scoped3A_81, %dma_start3A_98, %dma_start3A_99] : memref<3x320x32xbf16, #tpu.memory_space<vmem>> -> memref<1x320x32xbf16, #tpu.memory_space<vmem>>
        %dma_start3A_101 = tpu.memref_squeeze %dma_start3A_100 : memref<1x320x32xbf16, #tpu.memory_space<vmem>> -> memref<320x32xbf16, #tpu.memory_space<vmem>>
        %dma_start3A_102 = arith.constant 0 : i32
        %dma_start3A_103 = tpu.memref_slice %arg4[%run_scoped3A_82, %add3A_15, %dma_start3A_102] : memref<3x204800x32xbf16, #tpu.memory_space<hbm>> -> memref<1x320x32xbf16, #tpu.memory_space<hbm>>
        %dma_start3A_104 = tpu.memref_squeeze %dma_start3A_103 : memref<1x320x32xbf16, #tpu.memory_space<hbm>> -> memref<320x32xbf16, #tpu.memory_space<hbm>>
        %dma_start3A_105 = arith.constant 0 : i32
        %dma_start3A_106 = tpu.memref_slice %arg4[%run_scoped3A_82, %add3A_15, %dma_start3A_105] : memref<3x204800x32xbf16, #tpu.memory_space<hbm>> -> memref<1x320x32xbf16, #tpu.memory_space<hbm>>
        %dma_start3A_107 = tpu.memref_squeeze %dma_start3A_106 : memref<1x320x32xbf16, #tpu.memory_space<hbm>> -> memref<320x32xbf16, #tpu.memory_space<hbm>>
        %dma_start3A_108 = arith.constant 0 : i32
        %dma_start3A_109 = arith.constant 0 : i32
        %dma_start3A_110 = tpu.memref_slice %arg7[%run_scoped3A_81, %dma_start3A_108, %dma_start3A_109] : memref<3x320x32xbf16, #tpu.memory_space<vmem>> -> memref<1x320x32xbf16, #tpu.memory_space<vmem>>
        %dma_start3A_111 = tpu.memref_squeeze %dma_start3A_110 : memref<1x320x32xbf16, #tpu.memory_space<vmem>> -> memref<320x32xbf16, #tpu.memory_space<vmem>>
        tpu.enqueue_dma source(%dma_start3A_111 : memref<320x32xbf16, #tpu.memory_space<vmem>>) target(%dma_start3A_107 : memref<320x32xbf16, #tpu.memory_space<hbm>>) target_semaphore(%run_scoped3A_97 : memref<!tpu.dma_semaphore, #tpu.memory_space<semaphore_mem>>)
        %dma_wait3A_112 = arith.constant 0 : i32
        %dma_wait3A_113 = arith.constant 0 : i32
        %dma_wait3A_114 = tpu.memref_slice %arg7[%run_scoped3A_81, %dma_wait3A_112, %dma_wait3A_113] : memref<3x320x32xbf16, #tpu.memory_space<vmem>> -> memref<1x320x32xbf16, #tpu.memory_space<vmem>>
        %dma_wait3A_115 = tpu.memref_squeeze %dma_wait3A_114 : memref<1x320x32xbf16, #tpu.memory_space<vmem>> -> memref<320x32xbf16, #tpu.memory_space<vmem>>
        %dma_wait3A_116 = arith.constant 0 : i32
        %dma_wait3A_117 = tpu.memref_slice %arg4[%run_scoped3A_82, %add3A_15, %dma_wait3A_116] : memref<3x204800x32xbf16, #tpu.memory_space<hbm>> -> memref<1x320x32xbf16, #tpu.memory_space<hbm>>
        %dma_wait3A_118 = tpu.memref_squeeze %dma_wait3A_117 : memref<1x320x32xbf16, #tpu.memory_space<hbm>> -> memref<320x32xbf16, #tpu.memory_space<hbm>>
        %dma_wait3A_119 = arith.constant 0 : i32
        %dma_wait3A_120 = tpu.memref_slice %arg4[%run_scoped3A_82, %add3A_15, %dma_wait3A_119] : memref<3x204800x32xbf16, #tpu.memory_space<hbm>> -> memref<1x320x32xbf16, #tpu.memory_space<hbm>>
        %dma_wait3A_121 = tpu.memref_squeeze %dma_wait3A_120 : memref<1x320x32xbf16, #tpu.memory_space<hbm>> -> memref<320x32xbf16, #tpu.memory_space<hbm>>
        %dma_wait3A_122 = arith.constant 0 : i32
        %dma_wait3A_123 = arith.constant 0 : i32
        %dma_wait3A_124 = tpu.memref_slice %arg7[%run_scoped3A_81, %dma_wait3A_122, %dma_wait3A_123] : memref<3x320x32xbf16, #tpu.memory_space<vmem>> -> memref<1x320x32xbf16, #tpu.memory_space<vmem>>
        %dma_wait3A_125 = tpu.memref_squeeze %dma_wait3A_124 : memref<1x320x32xbf16, #tpu.memory_space<vmem>> -> memref<320x32xbf16, #tpu.memory_space<vmem>>
        tpu.wait_dma2 semaphore(%run_scoped3A_97 : memref<!tpu.dma_semaphore, #tpu.memory_space<semaphore_mem>>) src(%dma_wait3A_125 : memref<320x32xbf16, #tpu.memory_space<vmem>>) dst(%dma_wait3A_121 : memref<320x32xbf16, #tpu.memory_space<hbm>>)
        tpu.yield
      }) : () -> ()
      %dma_wait3A_83 = arith.constant 2 : i32
      %dma_wait3A_84 = arith.constant 2 : i32
      %dma_wait3A_85 = arith.constant 0 : i32
      %dma_wait3A_86 = arith.constant 0 : i32
      %dma_wait3A_87 = tpu.memref_slice %arg7[%dma_wait3A_84, %dma_wait3A_85, %dma_wait3A_86] : memref<3x320x32xbf16, #tpu.memory_space<vmem>> -> memref<1x320x32xbf16, #tpu.memory_space<vmem>>
      %dma_wait3A_88 = tpu.memref_squeeze %dma_wait3A_87 : memref<1x320x32xbf16, #tpu.memory_space<vmem>> -> memref<320x32xbf16, #tpu.memory_space<vmem>>
      %dma_wait3A_89 = arith.constant 0 : i32
      %dma_wait3A_90 = tpu.memref_slice %arg6[%dma_wait3A_83, %dma_wait3A_89] : memref<3x320xi32, #tpu.memory_space<vmem>> -> memref<1x320xi32, #tpu.memory_space<vmem>>
      %dma_wait3A_91 = tpu.memref_squeeze %dma_wait3A_90 : memref<1x320xi32, #tpu.memory_space<vmem>> -> memref<320xi32, #tpu.memory_space<vmem>>
      %dma_wait3A_92 = arith.constant 0 : i32
      %dma_wait3A_93 = arith.constant 0 : i32
      %dma_wait3A_94 = tpu.memref_slice %arg5[%dma_wait3A_92, %dma_wait3A_93] : memref<111104x32xbf16, #tpu.memory_space<vmem_shared>> -> memref<111104x32xbf16, #tpu.memory_space<vmem_shared>>
      tpu.wait_indirect_dma semaphore(%arg8 : memref<!tpu.dma_semaphore, #tpu.memory_space<semaphore_mem>>) src(%dma_wait3A_94 : memref<111104x32xbf16, #tpu.memory_space<vmem_shared>>) dst(%dma_wait3A_88 : memref<320x32xbf16, #tpu.memory_space<vmem>>)
      %run_scoped3A_95 = arith.constant 2 : i32
      %run_scoped3A_96 = arith.constant 2 : i32
      "tpu.region"() ({
        %run_scoped3A_97 = tpu.sem_alloc : memref<!tpu.dma_semaphore, #tpu.memory_space<semaphore_mem>>
        %dma_start3A_98 = arith.constant 0 : i32
        %dma_start3A_99 = arith.constant 0 : i32
        %dma_start3A_100 = tpu.memref_slice %arg7[%run_scoped3A_95, %dma_start3A_98, %dma_start3A_99] : memref<3x320x32xbf16, #tpu.memory_space<vmem>> -> memref<1x320x32xbf16, #tpu.memory_space<vmem>>
        %dma_start3A_101 = tpu.memref_squeeze %dma_start3A_100 : memref<1x320x32xbf16, #tpu.memory_space<vmem>> -> memref<320x32xbf16, #tpu.memory_space<vmem>>
        %dma_start3A_102 = arith.constant 0 : i32
        %dma_start3A_103 = tpu.memref_slice %arg4[%run_scoped3A_96, %add3A_15, %dma_start3A_102] : memref<3x204800x32xbf16, #tpu.memory_space<hbm>> -> memref<1x320x32xbf16, #tpu.memory_space<hbm>>
        %dma_start3A_104 = tpu.memref_squeeze %dma_start3A_103 : memref<1x320x32xbf16, #tpu.memory_space<hbm>> -> memref<320x32xbf16, #tpu.memory_space<hbm>>
        %dma_start3A_105 = arith.constant 0 : i32
        %dma_start3A_106 = tpu.memref_slice %arg4[%run_scoped3A_96, %add3A_15, %dma_start3A_105] : memref<3x204800x32xbf16, #tpu.memory_space<hbm>> -> memref<1x320x32xbf16, #tpu.memory_space<hbm>>
        %dma_start3A_107 = tpu.memref_squeeze %dma_start3A_106 : memref<1x320x32xbf16, #tpu.memory_space<hbm>> -> memref<320x32xbf16, #tpu.memory_space<hbm>>
        %dma_start3A_108 = arith.constant 0 : i32
        %dma_start3A_109 = arith.constant 0 : i32
        %dma_start3A_110 = tpu.memref_slice %arg7[%run_scoped3A_95, %dma_start3A_108, %dma_start3A_109] : memref<3x320x32xbf16, #tpu.memory_space<vmem>> -> memref<1x320x32xbf16, #tpu.memory_space<vmem>>
        %dma_start3A_111 = tpu.memref_squeeze %dma_start3A_110 : memref<1x320x32xbf16, #tpu.memory_space<vmem>> -> memref<320x32xbf16, #tpu.memory_space<vmem>>
        tpu.enqueue_dma source(%dma_start3A_111 : memref<320x32xbf16, #tpu.memory_space<vmem>>) target(%dma_start3A_107 : memref<320x32xbf16, #tpu.memory_space<hbm>>) target_semaphore(%run_scoped3A_97 : memref<!tpu.dma_semaphore, #tpu.memory_space<semaphore_mem>>)
        %dma_wait3A_112 = arith.constant 0 : i32
        %dma_wait3A_113 = arith.constant 0 : i32
        %dma_wait3A_114 = tpu.memref_slice %arg7[%run_scoped3A_95, %dma_wait3A_112, %dma_wait3A_113] : memref<3x320x32xbf16, #tpu.memory_space<vmem>> -> memref<1x320x32xbf16, #tpu.memory_space<vmem>>
        %dma_wait3A_115 = tpu.memref_squeeze %dma_wait3A_114 : memref<1x320x32xbf16, #tpu.memory_space<vmem>> -> memref<320x32xbf16, #tpu.memory_space<vmem>>
        %dma_wait3A_116 = arith.constant 0 : i32
        %dma_wait3A_117 = tpu.memref_slice %arg4[%run_scoped3A_96, %add3A_15, %dma_wait3A_116] : memref<3x204800x32xbf16, #tpu.memory_space<hbm>> -> memref<1x320x32xbf16, #tpu.memory_space<hbm>>
        %dma_wait3A_118 = tpu.memref_squeeze %dma_wait3A_117 : memref<1x320x32xbf16, #tpu.memory_space<hbm>> -> memref<320x32xbf16, #tpu.memory_space<hbm>>
        %dma_wait3A_119 = arith.constant 0 : i32
        %dma_wait3A_120 = tpu.memref_slice %arg4[%run_scoped3A_96, %add3A_15, %dma_wait3A_119] : memref<3x204800x32xbf16, #tpu.memory_space<hbm>> -> memref<1x320x32xbf16, #tpu.memory_space<hbm>>
        %dma_wait3A_121 = tpu.memref_squeeze %dma_wait3A_120 : memref<1x320x32xbf16, #tpu.memory_space<hbm>> -> memref<320x32xbf16, #tpu.memory_space<hbm>>
        %dma_wait3A_122 = arith.constant 0 : i32
        %dma_wait3A_123 = arith.constant 0 : i32
        %dma_wait3A_124 = tpu.memref_slice %arg7[%run_scoped3A_95, %dma_wait3A_122, %dma_wait3A_123] : memref<3x320x32xbf16, #tpu.memory_space<vmem>> -> memref<1x320x32xbf16, #tpu.memory_space<vmem>>
        %dma_wait3A_125 = tpu.memref_squeeze %dma_wait3A_124 : memref<1x320x32xbf16, #tpu.memory_space<vmem>> -> memref<320x32xbf16, #tpu.memory_space<vmem>>
        tpu.wait_dma2 semaphore(%run_scoped3A_97 : memref<!tpu.dma_semaphore, #tpu.memory_space<semaphore_mem>>) src(%dma_wait3A_125 : memref<320x32xbf16, #tpu.memory_space<vmem>>) dst(%dma_wait3A_121 : memref<320x32xbf16, #tpu.memory_space<hbm>>)
        tpu.yield
      }) : () -> ()
    }
    %scan3A_11 = arith.constant 20 : i32
    return
  }
}

module attributes {stable_mosaic.version = 14 : i64} {
  func.func @body(%arg0: i32, %arg1: memref<3x512x256xbf16, #tpu.memory_space<vmem>>, %arg2: memref<1x8x512xi32, #tpu.memory_space<vmem>>, %arg3: memref<8x32xbf16, #tpu.memory_space<vmem>>, %arg4: memref<4x32x96xbf16, #tpu.memory_space<vmem>>, %arg5: memref<1x96xf32, #tpu.memory_space<vmem>>, %arg6: memref<1x96xf32, #tpu.memory_space<vmem>>, %arg7: memref<1x96xf32, #tpu.memory_space<vmem>>, %arg8: memref<4096x96xf32, #tpu.memory_space<vmem>>) attributes {dimension_semantics = [#tpu.dimension_semantics<arbitrary>], iteration_bounds = array<i64: 50>, scalar_prefetch = 0 : i64, scratch_operands = 0 : i64, tpu.core_type = #tpu.core_type<tc>, window_params = [{transform_indices = @transform_0, window_bounds = array<i64: 3, 512, 256>}, {transform_indices = @transform_1, window_bounds = array<i64: 1, 8, 512>}, {pipeline_mode = #tpu.pipeline_mode<synchronous>, transform_indices = @transform_2, window_bounds = array<i64: 8, 32>}, {pipeline_mode = #tpu.pipeline_mode<synchronous>, transform_indices = @transform_3, window_bounds = array<i64: 4, 32, 96>}, {pipeline_mode = #tpu.pipeline_mode<synchronous>, transform_indices = @transform_4, window_bounds = array<i64: 1, 96>}, {pipeline_mode = #tpu.pipeline_mode<synchronous>, transform_indices = @transform_5, window_bounds = array<i64: 1, 96>}, {pipeline_mode = #tpu.pipeline_mode<synchronous>, transform_indices = @transform_6, window_bounds = array<i64: 1, 96>}, {transform_indices = @transform_7, window_bounds = array<i64: 4096, 96>}]} {
    %get3A = arith.constant 0 : index
    %get3A_0 = arith.constant 0 : index
    %get3A_1 = vector.load %arg3[%get3A, %get3A_0] : memref<8x32xbf16, #tpu.memory_space<vmem>>, vector<8x32xbf16>
    %get3A_2 = arith.constant 0 : index
    %get3A_3 = arith.constant 0 : index
    %get3A_4 = arith.constant 0 : index
    %get3A_5 = vector.load %arg4[%get3A_2, %get3A_3, %get3A_4] : memref<4x32x96xbf16, #tpu.memory_space<vmem>>, vector<1x32x96xbf16>
    %get3A_6 = vector.shape_cast %get3A_5 : vector<1x32x96xbf16> to vector<32x96xbf16>
    %dot_general3A = arith.constant dense<0.000000e+00> : vector<8x96xf32>
    %dot_general3A_7 = tpu.matmul %get3A_1, %get3A_6, %dot_general3A {dimension_numbers = #tpu.dot_dimension_numbers<[1], [0], [0], [1], [0, 0, 1, 1], [], []>, transpose_lhs_hint = false} : vector<8x32xbf16>, vector<32x96xbf16>, vector<8x96xf32> -> vector<8x96xf32>
    %convert_element_type3A = arith.truncf %dot_general3A_7 : vector<8x96xf32> to vector<8x96xbf16>
    %iota3A = tpu.iota {dimensions = array<i32: 1>} : vector<512x8xi32>
    %get3A_8 = arith.constant 0 : index
    %get3A_9 = arith.constant 0 : index
    %get3A_10 = arith.constant 0 : index
    %get3A_11 = vector.load %arg2[%get3A_8, %get3A_9, %get3A_10] : memref<1x8x512xi32, #tpu.memory_space<vmem>>, vector<1x1x512xi32>
    %get3A_12 = vector.shape_cast %get3A_11 : vector<1x1x512xi32> to vector<512xi32>
    %broadcast_in_dim3A = vector.shape_cast %get3A_12 : vector<512xi32> to vector<512x1xi32>
    %eq3A = vector.broadcast %broadcast_in_dim3A : vector<512x1xi32> to vector<512x8xi32>
    %eq3A_13 = arith.cmpi eq, %eq3A, %iota3A : vector<512x8xi32>
    %convert_element_type3A_14 = arith.extui %eq3A_13 : vector<512x8xi1> to vector<512x8xi32>
    %convert_element_type3A_15 = arith.sitofp %convert_element_type3A_14 : vector<512x8xi32> to vector<512x8xf32>
    %convert_element_type3A_16 = arith.truncf %convert_element_type3A_15 : vector<512x8xf32> to vector<512x8xbf16>
    %dot_general3A_17 = arith.constant dense<0.000000e+00> : vector<512x96xf32>
    %dot_general3A_18 = tpu.matmul %convert_element_type3A_16, %convert_element_type3A, %dot_general3A_17 {dimension_numbers = #tpu.dot_dimension_numbers<[1], [0], [0], [1], [0, 0, 1, 1], [], []>, transpose_lhs_hint = false} : vector<512x8xbf16>, vector<8x96xbf16>, vector<512x96xf32> -> vector<512x96xf32>
    %get3A_19 = arith.constant 0 : index
    %get3A_20 = arith.constant 0 : index
    %get3A_21 = arith.constant 0 : index
    %get3A_22 = vector.load %arg1[%get3A_19, %get3A_20, %get3A_21] : memref<3x512x256xbf16, #tpu.memory_space<vmem>>, vector<1x512x256xbf16>
    %get3A_23 = vector.shape_cast %get3A_22 : vector<1x512x256xbf16> to vector<512x256xbf16>
    %slice3A = vector.extract_strided_slice %get3A_23 {offsets = [0, 0], sizes = [512, 32], strides = [1, 1]} : vector<512x256xbf16> to vector<512x32xbf16>
    %get3A_24 = arith.constant 1 : index
    %get3A_25 = arith.constant 0 : index
    %get3A_26 = arith.constant 0 : index
    %get3A_27 = vector.load %arg4[%get3A_24, %get3A_25, %get3A_26] : memref<4x32x96xbf16, #tpu.memory_space<vmem>>, vector<1x32x96xbf16>
    %get3A_28 = vector.shape_cast %get3A_27 : vector<1x32x96xbf16> to vector<32x96xbf16>
    %dot_general3A_29 = arith.constant dense<0.000000e+00> : vector<512x96xf32>
    %dot_general3A_30 = tpu.matmul %slice3A, %get3A_28, %dot_general3A_29 {dimension_numbers = #tpu.dot_dimension_numbers<[1], [0], [0], [1], [0, 0, 1, 1], [], []>, transpose_lhs_hint = false} : vector<512x32xbf16>, vector<32x96xbf16>, vector<512x96xf32> -> vector<512x96xf32>
    %add3A = arith.addf %dot_general3A_18, %dot_general3A_30 : vector<512x96xf32>
    %get3A_31 = arith.constant 1 : index
    %get3A_32 = arith.constant 0 : index
    %get3A_33 = arith.constant 0 : index
    %get3A_34 = vector.load %arg1[%get3A_31, %get3A_32, %get3A_33] : memref<3x512x256xbf16, #tpu.memory_space<vmem>>, vector<1x512x256xbf16>
    %get3A_35 = vector.shape_cast %get3A_34 : vector<1x512x256xbf16> to vector<512x256xbf16>
    %slice3A_36 = vector.extract_strided_slice %get3A_35 {offsets = [0, 0], sizes = [512, 32], strides = [1, 1]} : vector<512x256xbf16> to vector<512x32xbf16>
    %get3A_37 = arith.constant 2 : index
    %get3A_38 = arith.constant 0 : index
    %get3A_39 = arith.constant 0 : index
    %get3A_40 = vector.load %arg4[%get3A_37, %get3A_38, %get3A_39] : memref<4x32x96xbf16, #tpu.memory_space<vmem>>, vector<1x32x96xbf16>
    %get3A_41 = vector.shape_cast %get3A_40 : vector<1x32x96xbf16> to vector<32x96xbf16>
    %dot_general3A_42 = arith.constant dense<0.000000e+00> : vector<512x96xf32>
    %dot_general3A_43 = tpu.matmul %slice3A_36, %get3A_41, %dot_general3A_42 {dimension_numbers = #tpu.dot_dimension_numbers<[1], [0], [0], [1], [0, 0, 1, 1], [], []>, transpose_lhs_hint = false} : vector<512x32xbf16>, vector<32x96xbf16>, vector<512x96xf32> -> vector<512x96xf32>
    %add3A_44 = arith.addf %add3A, %dot_general3A_43 : vector<512x96xf32>
    %get3A_45 = arith.constant 2 : index
    %get3A_46 = arith.constant 0 : index
    %get3A_47 = arith.constant 0 : index
    %get3A_48 = vector.load %arg1[%get3A_45, %get3A_46, %get3A_47] : memref<3x512x256xbf16, #tpu.memory_space<vmem>>, vector<1x512x256xbf16>
    %get3A_49 = vector.shape_cast %get3A_48 : vector<1x512x256xbf16> to vector<512x256xbf16>
    %slice3A_50 = vector.extract_strided_slice %get3A_49 {offsets = [0, 0], sizes = [512, 32], strides = [1, 1]} : vector<512x256xbf16> to vector<512x32xbf16>
    %get3A_51 = arith.constant 3 : index
    %get3A_52 = arith.constant 0 : index
    %get3A_53 = arith.constant 0 : index
    %get3A_54 = vector.load %arg4[%get3A_51, %get3A_52, %get3A_53] : memref<4x32x96xbf16, #tpu.memory_space<vmem>>, vector<1x32x96xbf16>
    %get3A_55 = vector.shape_cast %get3A_54 : vector<1x32x96xbf16> to vector<32x96xbf16>
    %dot_general3A_56 = arith.constant dense<0.000000e+00> : vector<512x96xf32>
    %dot_general3A_57 = tpu.matmul %slice3A_50, %get3A_55, %dot_general3A_56 {dimension_numbers = #tpu.dot_dimension_numbers<[1], [0], [0], [1], [0, 0, 1, 1], [], []>, transpose_lhs_hint = false} : vector<512x32xbf16>, vector<32x96xbf16>, vector<512x96xf32> -> vector<512x96xf32>
    %add3A_58 = arith.addf %add3A_44, %dot_general3A_57 : vector<512x96xf32>
    %get3A_59 = arith.constant 0 : index
    %get3A_60 = arith.constant 0 : index
    %get3A_61 = vector.load %arg5[%get3A_59, %get3A_60] : memref<1x96xf32, #tpu.memory_space<vmem>>, vector<1x96xf32>
    %get3A_62 = vector.shape_cast %get3A_61 : vector<1x96xf32> to vector<96xf32>
    %broadcast_in_dim3A_63 = vector.shape_cast %get3A_62 : vector<96xf32> to vector<1x96xf32>
    %add3A_64 = vector.broadcast %broadcast_in_dim3A_63 : vector<1x96xf32> to vector<512x96xf32>
    %add3A_65 = arith.addf %add3A_58, %add3A_64 : vector<512x96xf32>
    %reduce_sum3A = arith.constant dense<0.000000e+00> : vector<512xf32>
    %reduce_sum3A_66 = vector.multi_reduction <add>, %add3A_65, %reduce_sum3A [1] : vector<512x96xf32> to vector<512xf32>
    %broadcast_in_dim3A_67 = vector.shape_cast %reduce_sum3A_66 : vector<512xf32> to vector<512x1xf32>
    %div3A = arith.constant 9.600000e+01 : f32
    %div3A_68 = vector.broadcast %div3A : f32 to vector<512x1xf32>
    %div3A_69 = arith.divf %broadcast_in_dim3A_67, %div3A_68 : vector<512x1xf32>
    %sub3A = vector.broadcast %div3A_69 : vector<512x1xf32> to vector<512x96xf32>
    %sub3A_70 = arith.subf %add3A_65, %sub3A : vector<512x96xf32>
    %mul3A = arith.mulf %sub3A_70, %sub3A_70 : vector<512x96xf32>
    %reduce_sum3A_71 = arith.constant dense<0.000000e+00> : vector<512xf32>
    %reduce_sum3A_72 = vector.multi_reduction <add>, %mul3A, %reduce_sum3A_71 [1] : vector<512x96xf32> to vector<512xf32>
    %broadcast_in_dim3A_73 = vector.shape_cast %reduce_sum3A_72 : vector<512xf32> to vector<512x1xf32>
    %div3A_74 = arith.constant 9.600000e+01 : f32
    %div3A_75 = vector.broadcast %div3A_74 : f32 to vector<512x1xf32>
    %div3A_76 = arith.divf %broadcast_in_dim3A_73, %div3A_75 : vector<512x1xf32>
    %add3A_77 = arith.constant 9.99999974E-6 : f32
    %add3A_78 = vector.broadcast %add3A_77 : f32 to vector<512x1xf32>
    %add3A_79 = arith.addf %div3A_76, %add3A_78 : vector<512x1xf32>
    %rsqrt3A = math.rsqrt %add3A_79 : vector<512x1xf32>
    %mul3A_80 = vector.broadcast %rsqrt3A : vector<512x1xf32> to vector<512x96xf32>
    %mul3A_81 = arith.mulf %sub3A_70, %mul3A_80 : vector<512x96xf32>
    %get3A_82 = arith.constant 0 : index
    %get3A_83 = arith.constant 0 : index
    %get3A_84 = vector.load %arg6[%get3A_82, %get3A_83] : memref<1x96xf32, #tpu.memory_space<vmem>>, vector<1x96xf32>
    %get3A_85 = vector.shape_cast %get3A_84 : vector<1x96xf32> to vector<96xf32>
    %broadcast_in_dim3A_86 = vector.shape_cast %get3A_85 : vector<96xf32> to vector<1x96xf32>
    %mul3A_87 = vector.broadcast %broadcast_in_dim3A_86 : vector<1x96xf32> to vector<512x96xf32>
    %mul3A_88 = arith.mulf %mul3A_81, %mul3A_87 : vector<512x96xf32>
    %get3A_89 = arith.constant 0 : index
    %get3A_90 = arith.constant 0 : index
    %get3A_91 = vector.load %arg7[%get3A_89, %get3A_90] : memref<1x96xf32, #tpu.memory_space<vmem>>, vector<1x96xf32>
    %get3A_92 = vector.shape_cast %get3A_91 : vector<1x96xf32> to vector<96xf32>
    %broadcast_in_dim3A_93 = vector.shape_cast %get3A_92 : vector<96xf32> to vector<1x96xf32>
    %add3A_94 = vector.broadcast %broadcast_in_dim3A_93 : vector<1x96xf32> to vector<512x96xf32>
    %add3A_95 = arith.addf %mul3A_88, %add3A_94 : vector<512x96xf32>
    %swap3A = arith.constant 0 : index
    %swap3A_96 = arith.constant 0 : index
    %swap3A_97 = tpu.strided_load %arg8[%swap3A, %swap3A_96] {strides = array<i32: 8, 1>} : memref<4096x96xf32, #tpu.memory_space<vmem>>, vector<512x96xf32>
    tpu.strided_store %arg8[%swap3A, %swap3A_96], %add3A_95 {strides = array<i32: 8, 1>} : memref<4096x96xf32, #tpu.memory_space<vmem>>, vector<512x96xf32>
    %get3A_98 = arith.constant 0 : index
    %get3A_99 = arith.constant 1 : index
    %get3A_100 = arith.constant 0 : index
    %get3A_101 = vector.load %arg2[%get3A_98, %get3A_99, %get3A_100] : memref<1x8x512xi32, #tpu.memory_space<vmem>>, vector<1x1x512xi32>
    %get3A_102 = vector.shape_cast %get3A_101 : vector<1x1x512xi32> to vector<512xi32>
    %broadcast_in_dim3A_103 = vector.shape_cast %get3A_102 : vector<512xi32> to vector<512x1xi32>
    %eq3A_104 = vector.broadcast %broadcast_in_dim3A_103 : vector<512x1xi32> to vector<512x8xi32>
    %eq3A_105 = arith.cmpi eq, %eq3A_104, %iota3A : vector<512x8xi32>
    %convert_element_type3A_106 = arith.extui %eq3A_105 : vector<512x8xi1> to vector<512x8xi32>
    %convert_element_type3A_107 = arith.sitofp %convert_element_type3A_106 : vector<512x8xi32> to vector<512x8xf32>
    %convert_element_type3A_108 = arith.truncf %convert_element_type3A_107 : vector<512x8xf32> to vector<512x8xbf16>
    %dot_general3A_109 = arith.constant dense<0.000000e+00> : vector<512x96xf32>
    %dot_general3A_110 = tpu.matmul %convert_element_type3A_108, %convert_element_type3A, %dot_general3A_109 {dimension_numbers = #tpu.dot_dimension_numbers<[1], [0], [0], [1], [0, 0, 1, 1], [], []>, transpose_lhs_hint = false} : vector<512x8xbf16>, vector<8x96xbf16>, vector<512x96xf32> -> vector<512x96xf32>
    %get3A_111 = arith.constant 0 : index
    %get3A_112 = arith.constant 0 : index
    %get3A_113 = arith.constant 0 : index
    %get3A_114 = vector.load %arg1[%get3A_111, %get3A_112, %get3A_113] : memref<3x512x256xbf16, #tpu.memory_space<vmem>>, vector<1x512x256xbf16>
    %get3A_115 = vector.shape_cast %get3A_114 : vector<1x512x256xbf16> to vector<512x256xbf16>
    %slice3A_116 = vector.extract_strided_slice %get3A_115 {offsets = [0, 32], sizes = [512, 32], strides = [1, 1]} : vector<512x256xbf16> to vector<512x32xbf16>
    %get3A_117 = arith.constant 1 : index
    %get3A_118 = arith.constant 0 : index
    %get3A_119 = arith.constant 0 : index
    %get3A_120 = vector.load %arg4[%get3A_117, %get3A_118, %get3A_119] : memref<4x32x96xbf16, #tpu.memory_space<vmem>>, vector<1x32x96xbf16>
    %get3A_121 = vector.shape_cast %get3A_120 : vector<1x32x96xbf16> to vector<32x96xbf16>
    %dot_general3A_122 = arith.constant dense<0.000000e+00> : vector<512x96xf32>
    %dot_general3A_123 = tpu.matmul %slice3A_116, %get3A_121, %dot_general3A_122 {dimension_numbers = #tpu.dot_dimension_numbers<[1], [0], [0], [1], [0, 0, 1, 1], [], []>, transpose_lhs_hint = false} : vector<512x32xbf16>, vector<32x96xbf16>, vector<512x96xf32> -> vector<512x96xf32>
    %add3A_124 = arith.addf %dot_general3A_110, %dot_general3A_123 : vector<512x96xf32>
    %get3A_125 = arith.constant 1 : index
    %get3A_126 = arith.constant 0 : index
    %get3A_127 = arith.constant 0 : index
    %get3A_128 = vector.load %arg1[%get3A_125, %get3A_126, %get3A_127] : memref<3x512x256xbf16, #tpu.memory_space<vmem>>, vector<1x512x256xbf16>
    %get3A_129 = vector.shape_cast %get3A_128 : vector<1x512x256xbf16> to vector<512x256xbf16>
    %slice3A_130 = vector.extract_strided_slice %get3A_129 {offsets = [0, 32], sizes = [512, 32], strides = [1, 1]} : vector<512x256xbf16> to vector<512x32xbf16>
    %get3A_131 = arith.constant 2 : index
    %get3A_132 = arith.constant 0 : index
    %get3A_133 = arith.constant 0 : index
    %get3A_134 = vector.load %arg4[%get3A_131, %get3A_132, %get3A_133] : memref<4x32x96xbf16, #tpu.memory_space<vmem>>, vector<1x32x96xbf16>
    %get3A_135 = vector.shape_cast %get3A_134 : vector<1x32x96xbf16> to vector<32x96xbf16>
    %dot_general3A_136 = arith.constant dense<0.000000e+00> : vector<512x96xf32>
    %dot_general3A_137 = tpu.matmul %slice3A_130, %get3A_135, %dot_general3A_136 {dimension_numbers = #tpu.dot_dimension_numbers<[1], [0], [0], [1], [0, 0, 1, 1], [], []>, transpose_lhs_hint = false} : vector<512x32xbf16>, vector<32x96xbf16>, vector<512x96xf32> -> vector<512x96xf32>
    %add3A_138 = arith.addf %add3A_124, %dot_general3A_137 : vector<512x96xf32>
    %get3A_139 = arith.constant 2 : index
    %get3A_140 = arith.constant 0 : index
    %get3A_141 = arith.constant 0 : index
    %get3A_142 = vector.load %arg1[%get3A_139, %get3A_140, %get3A_141] : memref<3x512x256xbf16, #tpu.memory_space<vmem>>, vector<1x512x256xbf16>
    %get3A_143 = vector.shape_cast %get3A_142 : vector<1x512x256xbf16> to vector<512x256xbf16>
    %slice3A_144 = vector.extract_strided_slice %get3A_143 {offsets = [0, 32], sizes = [512, 32], strides = [1, 1]} : vector<512x256xbf16> to vector<512x32xbf16>
    %get3A_145 = arith.constant 3 : index
    %get3A_146 = arith.constant 0 : index
    %get3A_147 = arith.constant 0 : index
    %get3A_148 = vector.load %arg4[%get3A_145, %get3A_146, %get3A_147] : memref<4x32x96xbf16, #tpu.memory_space<vmem>>, vector<1x32x96xbf16>
    %get3A_149 = vector.shape_cast %get3A_148 : vector<1x32x96xbf16> to vector<32x96xbf16>
    %dot_general3A_150 = arith.constant dense<0.000000e+00> : vector<512x96xf32>
    %dot_general3A_151 = tpu.matmul %slice3A_144, %get3A_149, %dot_general3A_150 {dimension_numbers = #tpu.dot_dimension_numbers<[1], [0], [0], [1], [0, 0, 1, 1], [], []>, transpose_lhs_hint = false} : vector<512x32xbf16>, vector<32x96xbf16>, vector<512x96xf32> -> vector<512x96xf32>
    %add3A_152 = arith.addf %add3A_138, %dot_general3A_151 : vector<512x96xf32>
    %get3A_153 = arith.constant 0 : index
    %get3A_154 = arith.constant 0 : index
    %get3A_155 = vector.load %arg5[%get3A_153, %get3A_154] : memref<1x96xf32, #tpu.memory_space<vmem>>, vector<1x96xf32>
    %get3A_156 = vector.shape_cast %get3A_155 : vector<1x96xf32> to vector<96xf32>
    %broadcast_in_dim3A_157 = vector.shape_cast %get3A_156 : vector<96xf32> to vector<1x96xf32>
    %add3A_158 = vector.broadcast %broadcast_in_dim3A_157 : vector<1x96xf32> to vector<512x96xf32>
    %add3A_159 = arith.addf %add3A_152, %add3A_158 : vector<512x96xf32>
    %reduce_sum3A_160 = arith.constant dense<0.000000e+00> : vector<512xf32>
    %reduce_sum3A_161 = vector.multi_reduction <add>, %add3A_159, %reduce_sum3A_160 [1] : vector<512x96xf32> to vector<512xf32>
    %broadcast_in_dim3A_162 = vector.shape_cast %reduce_sum3A_161 : vector<512xf32> to vector<512x1xf32>
    %div3A_163 = arith.constant 9.600000e+01 : f32
    %div3A_164 = vector.broadcast %div3A_163 : f32 to vector<512x1xf32>
    %div3A_165 = arith.divf %broadcast_in_dim3A_162, %div3A_164 : vector<512x1xf32>
    %sub3A_166 = vector.broadcast %div3A_165 : vector<512x1xf32> to vector<512x96xf32>
    %sub3A_167 = arith.subf %add3A_159, %sub3A_166 : vector<512x96xf32>
    %mul3A_168 = arith.mulf %sub3A_167, %sub3A_167 : vector<512x96xf32>
    %reduce_sum3A_169 = arith.constant dense<0.000000e+00> : vector<512xf32>
    %reduce_sum3A_170 = vector.multi_reduction <add>, %mul3A_168, %reduce_sum3A_169 [1] : vector<512x96xf32> to vector<512xf32>
    %broadcast_in_dim3A_171 = vector.shape_cast %reduce_sum3A_170 : vector<512xf32> to vector<512x1xf32>
    %div3A_172 = arith.constant 9.600000e+01 : f32
    %div3A_173 = vector.broadcast %div3A_172 : f32 to vector<512x1xf32>
    %div3A_174 = arith.divf %broadcast_in_dim3A_171, %div3A_173 : vector<512x1xf32>
    %add3A_175 = arith.constant 9.99999974E-6 : f32
    %add3A_176 = vector.broadcast %add3A_175 : f32 to vector<512x1xf32>
    %add3A_177 = arith.addf %div3A_174, %add3A_176 : vector<512x1xf32>
    %rsqrt3A_178 = math.rsqrt %add3A_177 : vector<512x1xf32>
    %mul3A_179 = vector.broadcast %rsqrt3A_178 : vector<512x1xf32> to vector<512x96xf32>
    %mul3A_180 = arith.mulf %sub3A_167, %mul3A_179 : vector<512x96xf32>
    %get3A_181 = arith.constant 0 : index
    %get3A_182 = arith.constant 0 : index
    %get3A_183 = vector.load %arg6[%get3A_181, %get3A_182] : memref<1x96xf32, #tpu.memory_space<vmem>>, vector<1x96xf32>
    %get3A_184 = vector.shape_cast %get3A_183 : vector<1x96xf32> to vector<96xf32>
    %broadcast_in_dim3A_185 = vector.shape_cast %get3A_184 : vector<96xf32> to vector<1x96xf32>
    %mul3A_186 = vector.broadcast %broadcast_in_dim3A_185 : vector<1x96xf32> to vector<512x96xf32>
    %mul3A_187 = arith.mulf %mul3A_180, %mul3A_186 : vector<512x96xf32>
    %get3A_188 = arith.constant 0 : index
    %get3A_189 = arith.constant 0 : index
    %get3A_190 = vector.load %arg7[%get3A_188, %get3A_189] : memref<1x96xf32, #tpu.memory_space<vmem>>, vector<1x96xf32>
    %get3A_191 = vector.shape_cast %get3A_190 : vector<1x96xf32> to vector<96xf32>
    %broadcast_in_dim3A_192 = vector.shape_cast %get3A_191 : vector<96xf32> to vector<1x96xf32>
    %add3A_193 = vector.broadcast %broadcast_in_dim3A_192 : vector<1x96xf32> to vector<512x96xf32>
    %add3A_194 = arith.addf %mul3A_187, %add3A_193 : vector<512x96xf32>
    %swap3A_195 = arith.constant 1 : index
    %swap3A_196 = arith.constant 0 : index
    %swap3A_197 = tpu.strided_load %arg8[%swap3A_195, %swap3A_196] {strides = array<i32: 8, 1>} : memref<4096x96xf32, #tpu.memory_space<vmem>>, vector<512x96xf32>
    tpu.strided_store %arg8[%swap3A_195, %swap3A_196], %add3A_194 {strides = array<i32: 8, 1>} : memref<4096x96xf32, #tpu.memory_space<vmem>>, vector<512x96xf32>
    %get3A_198 = arith.constant 0 : index
    %get3A_199 = arith.constant 2 : index
    %get3A_200 = arith.constant 0 : index
    %get3A_201 = vector.load %arg2[%get3A_198, %get3A_199, %get3A_200] : memref<1x8x512xi32, #tpu.memory_space<vmem>>, vector<1x1x512xi32>
    %get3A_202 = vector.shape_cast %get3A_201 : vector<1x1x512xi32> to vector<512xi32>
    %broadcast_in_dim3A_203 = vector.shape_cast %get3A_202 : vector<512xi32> to vector<512x1xi32>
    %eq3A_204 = vector.broadcast %broadcast_in_dim3A_203 : vector<512x1xi32> to vector<512x8xi32>
    %eq3A_205 = arith.cmpi eq, %eq3A_204, %iota3A : vector<512x8xi32>
    %convert_element_type3A_206 = arith.extui %eq3A_205 : vector<512x8xi1> to vector<512x8xi32>
    %convert_element_type3A_207 = arith.sitofp %convert_element_type3A_206 : vector<512x8xi32> to vector<512x8xf32>
    %convert_element_type3A_208 = arith.truncf %convert_element_type3A_207 : vector<512x8xf32> to vector<512x8xbf16>
    %dot_general3A_209 = arith.constant dense<0.000000e+00> : vector<512x96xf32>
    %dot_general3A_210 = tpu.matmul %convert_element_type3A_208, %convert_element_type3A, %dot_general3A_209 {dimension_numbers = #tpu.dot_dimension_numbers<[1], [0], [0], [1], [0, 0, 1, 1], [], []>, transpose_lhs_hint = false} : vector<512x8xbf16>, vector<8x96xbf16>, vector<512x96xf32> -> vector<512x96xf32>
    %get3A_211 = arith.constant 0 : index
    %get3A_212 = arith.constant 0 : index
    %get3A_213 = arith.constant 0 : index
    %get3A_214 = vector.load %arg1[%get3A_211, %get3A_212, %get3A_213] : memref<3x512x256xbf16, #tpu.memory_space<vmem>>, vector<1x512x256xbf16>
    %get3A_215 = vector.shape_cast %get3A_214 : vector<1x512x256xbf16> to vector<512x256xbf16>
    %slice3A_216 = vector.extract_strided_slice %get3A_215 {offsets = [0, 64], sizes = [512, 32], strides = [1, 1]} : vector<512x256xbf16> to vector<512x32xbf16>
    %get3A_217 = arith.constant 1 : index
    %get3A_218 = arith.constant 0 : index
    %get3A_219 = arith.constant 0 : index
    %get3A_220 = vector.load %arg4[%get3A_217, %get3A_218, %get3A_219] : memref<4x32x96xbf16, #tpu.memory_space<vmem>>, vector<1x32x96xbf16>
    %get3A_221 = vector.shape_cast %get3A_220 : vector<1x32x96xbf16> to vector<32x96xbf16>
    %dot_general3A_222 = arith.constant dense<0.000000e+00> : vector<512x96xf32>
    %dot_general3A_223 = tpu.matmul %slice3A_216, %get3A_221, %dot_general3A_222 {dimension_numbers = #tpu.dot_dimension_numbers<[1], [0], [0], [1], [0, 0, 1, 1], [], []>, transpose_lhs_hint = false} : vector<512x32xbf16>, vector<32x96xbf16>, vector<512x96xf32> -> vector<512x96xf32>
    %add3A_224 = arith.addf %dot_general3A_210, %dot_general3A_223 : vector<512x96xf32>
    %get3A_225 = arith.constant 1 : index
    %get3A_226 = arith.constant 0 : index
    %get3A_227 = arith.constant 0 : index
    %get3A_228 = vector.load %arg1[%get3A_225, %get3A_226, %get3A_227] : memref<3x512x256xbf16, #tpu.memory_space<vmem>>, vector<1x512x256xbf16>
    %get3A_229 = vector.shape_cast %get3A_228 : vector<1x512x256xbf16> to vector<512x256xbf16>
    %slice3A_230 = vector.extract_strided_slice %get3A_229 {offsets = [0, 64], sizes = [512, 32], strides = [1, 1]} : vector<512x256xbf16> to vector<512x32xbf16>
    %get3A_231 = arith.constant 2 : index
    %get3A_232 = arith.constant 0 : index
    %get3A_233 = arith.constant 0 : index
    %get3A_234 = vector.load %arg4[%get3A_231, %get3A_232, %get3A_233] : memref<4x32x96xbf16, #tpu.memory_space<vmem>>, vector<1x32x96xbf16>
    %get3A_235 = vector.shape_cast %get3A_234 : vector<1x32x96xbf16> to vector<32x96xbf16>
    %dot_general3A_236 = arith.constant dense<0.000000e+00> : vector<512x96xf32>
    %dot_general3A_237 = tpu.matmul %slice3A_230, %get3A_235, %dot_general3A_236 {dimension_numbers = #tpu.dot_dimension_numbers<[1], [0], [0], [1], [0, 0, 1, 1], [], []>, transpose_lhs_hint = false} : vector<512x32xbf16>, vector<32x96xbf16>, vector<512x96xf32> -> vector<512x96xf32>
    %add3A_238 = arith.addf %add3A_224, %dot_general3A_237 : vector<512x96xf32>
    %get3A_239 = arith.constant 2 : index
    %get3A_240 = arith.constant 0 : index
    %get3A_241 = arith.constant 0 : index
    %get3A_242 = vector.load %arg1[%get3A_239, %get3A_240, %get3A_241] : memref<3x512x256xbf16, #tpu.memory_space<vmem>>, vector<1x512x256xbf16>
    %get3A_243 = vector.shape_cast %get3A_242 : vector<1x512x256xbf16> to vector<512x256xbf16>
    %slice3A_244 = vector.extract_strided_slice %get3A_243 {offsets = [0, 64], sizes = [512, 32], strides = [1, 1]} : vector<512x256xbf16> to vector<512x32xbf16>
    %get3A_245 = arith.constant 3 : index
    %get3A_246 = arith.constant 0 : index
    %get3A_247 = arith.constant 0 : index
    %get3A_248 = vector.load %arg4[%get3A_245, %get3A_246, %get3A_247] : memref<4x32x96xbf16, #tpu.memory_space<vmem>>, vector<1x32x96xbf16>
    %get3A_249 = vector.shape_cast %get3A_248 : vector<1x32x96xbf16> to vector<32x96xbf16>
    %dot_general3A_250 = arith.constant dense<0.000000e+00> : vector<512x96xf32>
    %dot_general3A_251 = tpu.matmul %slice3A_244, %get3A_249, %dot_general3A_250 {dimension_numbers = #tpu.dot_dimension_numbers<[1], [0], [0], [1], [0, 0, 1, 1], [], []>, transpose_lhs_hint = false} : vector<512x32xbf16>, vector<32x96xbf16>, vector<512x96xf32> -> vector<512x96xf32>
    %add3A_252 = arith.addf %add3A_238, %dot_general3A_251 : vector<512x96xf32>
    %get3A_253 = arith.constant 0 : index
    %get3A_254 = arith.constant 0 : index
    %get3A_255 = vector.load %arg5[%get3A_253, %get3A_254] : memref<1x96xf32, #tpu.memory_space<vmem>>, vector<1x96xf32>
    %get3A_256 = vector.shape_cast %get3A_255 : vector<1x96xf32> to vector<96xf32>
    %broadcast_in_dim3A_257 = vector.shape_cast %get3A_256 : vector<96xf32> to vector<1x96xf32>
    %add3A_258 = vector.broadcast %broadcast_in_dim3A_257 : vector<1x96xf32> to vector<512x96xf32>
    %add3A_259 = arith.addf %add3A_252, %add3A_258 : vector<512x96xf32>
    %reduce_sum3A_260 = arith.constant dense<0.000000e+00> : vector<512xf32>
    %reduce_sum3A_261 = vector.multi_reduction <add>, %add3A_259, %reduce_sum3A_260 [1] : vector<512x96xf32> to vector<512xf32>
    %broadcast_in_dim3A_262 = vector.shape_cast %reduce_sum3A_261 : vector<512xf32> to vector<512x1xf32>
    %div3A_263 = arith.constant 9.600000e+01 : f32
    %div3A_264 = vector.broadcast %div3A_263 : f32 to vector<512x1xf32>
    %div3A_265 = arith.divf %broadcast_in_dim3A_262, %div3A_264 : vector<512x1xf32>
    %sub3A_266 = vector.broadcast %div3A_265 : vector<512x1xf32> to vector<512x96xf32>
    %sub3A_267 = arith.subf %add3A_259, %sub3A_266 : vector<512x96xf32>
    %mul3A_268 = arith.mulf %sub3A_267, %sub3A_267 : vector<512x96xf32>
    %reduce_sum3A_269 = arith.constant dense<0.000000e+00> : vector<512xf32>
    %reduce_sum3A_270 = vector.multi_reduction <add>, %mul3A_268, %reduce_sum3A_269 [1] : vector<512x96xf32> to vector<512xf32>
    %broadcast_in_dim3A_271 = vector.shape_cast %reduce_sum3A_270 : vector<512xf32> to vector<512x1xf32>
    %div3A_272 = arith.constant 9.600000e+01 : f32
    %div3A_273 = vector.broadcast %div3A_272 : f32 to vector<512x1xf32>
    %div3A_274 = arith.divf %broadcast_in_dim3A_271, %div3A_273 : vector<512x1xf32>
    %add3A_275 = arith.constant 9.99999974E-6 : f32
    %add3A_276 = vector.broadcast %add3A_275 : f32 to vector<512x1xf32>
    %add3A_277 = arith.addf %div3A_274, %add3A_276 : vector<512x1xf32>
    %rsqrt3A_278 = math.rsqrt %add3A_277 : vector<512x1xf32>
    %mul3A_279 = vector.broadcast %rsqrt3A_278 : vector<512x1xf32> to vector<512x96xf32>
    %mul3A_280 = arith.mulf %sub3A_267, %mul3A_279 : vector<512x96xf32>
    %get3A_281 = arith.constant 0 : index
    %get3A_282 = arith.constant 0 : index
    %get3A_283 = vector.load %arg6[%get3A_281, %get3A_282] : memref<1x96xf32, #tpu.memory_space<vmem>>, vector<1x96xf32>
    %get3A_284 = vector.shape_cast %get3A_283 : vector<1x96xf32> to vector<96xf32>
    %broadcast_in_dim3A_285 = vector.shape_cast %get3A_284 : vector<96xf32> to vector<1x96xf32>
    %mul3A_286 = vector.broadcast %broadcast_in_dim3A_285 : vector<1x96xf32> to vector<512x96xf32>
    %mul3A_287 = arith.mulf %mul3A_280, %mul3A_286 : vector<512x96xf32>
    %get3A_288 = arith.constant 0 : index
    %get3A_289 = arith.constant 0 : index
    %get3A_290 = vector.load %arg7[%get3A_288, %get3A_289] : memref<1x96xf32, #tpu.memory_space<vmem>>, vector<1x96xf32>
    %get3A_291 = vector.shape_cast %get3A_290 : vector<1x96xf32> to vector<96xf32>
    %broadcast_in_dim3A_292 = vector.shape_cast %get3A_291 : vector<96xf32> to vector<1x96xf32>
    %add3A_293 = vector.broadcast %broadcast_in_dim3A_292 : vector<1x96xf32> to vector<512x96xf32>
    %add3A_294 = arith.addf %mul3A_287, %add3A_293 : vector<512x96xf32>
    %swap3A_295 = arith.constant 2 : index
    %swap3A_296 = arith.constant 0 : index
    %swap3A_297 = tpu.strided_load %arg8[%swap3A_295, %swap3A_296] {strides = array<i32: 8, 1>} : memref<4096x96xf32, #tpu.memory_space<vmem>>, vector<512x96xf32>
    tpu.strided_store %arg8[%swap3A_295, %swap3A_296], %add3A_294 {strides = array<i32: 8, 1>} : memref<4096x96xf32, #tpu.memory_space<vmem>>, vector<512x96xf32>
    %get3A_298 = arith.constant 0 : index
    %get3A_299 = arith.constant 3 : index
    %get3A_300 = arith.constant 0 : index
    %get3A_301 = vector.load %arg2[%get3A_298, %get3A_299, %get3A_300] : memref<1x8x512xi32, #tpu.memory_space<vmem>>, vector<1x1x512xi32>
    %get3A_302 = vector.shape_cast %get3A_301 : vector<1x1x512xi32> to vector<512xi32>
    %broadcast_in_dim3A_303 = vector.shape_cast %get3A_302 : vector<512xi32> to vector<512x1xi32>
    %eq3A_304 = vector.broadcast %broadcast_in_dim3A_303 : vector<512x1xi32> to vector<512x8xi32>
    %eq3A_305 = arith.cmpi eq, %eq3A_304, %iota3A : vector<512x8xi32>
    %convert_element_type3A_306 = arith.extui %eq3A_305 : vector<512x8xi1> to vector<512x8xi32>
    %convert_element_type3A_307 = arith.sitofp %convert_element_type3A_306 : vector<512x8xi32> to vector<512x8xf32>
    %convert_element_type3A_308 = arith.truncf %convert_element_type3A_307 : vector<512x8xf32> to vector<512x8xbf16>
    %dot_general3A_309 = arith.constant dense<0.000000e+00> : vector<512x96xf32>
    %dot_general3A_310 = tpu.matmul %convert_element_type3A_308, %convert_element_type3A, %dot_general3A_309 {dimension_numbers = #tpu.dot_dimension_numbers<[1], [0], [0], [1], [0, 0, 1, 1], [], []>, transpose_lhs_hint = false} : vector<512x8xbf16>, vector<8x96xbf16>, vector<512x96xf32> -> vector<512x96xf32>
    %get3A_311 = arith.constant 0 : index
    %get3A_312 = arith.constant 0 : index
    %get3A_313 = arith.constant 0 : index
    %get3A_314 = vector.load %arg1[%get3A_311, %get3A_312, %get3A_313] : memref<3x512x256xbf16, #tpu.memory_space<vmem>>, vector<1x512x256xbf16>
    %get3A_315 = vector.shape_cast %get3A_314 : vector<1x512x256xbf16> to vector<512x256xbf16>
    %slice3A_316 = vector.extract_strided_slice %get3A_315 {offsets = [0, 96], sizes = [512, 32], strides = [1, 1]} : vector<512x256xbf16> to vector<512x32xbf16>
    %get3A_317 = arith.constant 1 : index
    %get3A_318 = arith.constant 0 : index
    %get3A_319 = arith.constant 0 : index
    %get3A_320 = vector.load %arg4[%get3A_317, %get3A_318, %get3A_319] : memref<4x32x96xbf16, #tpu.memory_space<vmem>>, vector<1x32x96xbf16>
    %get3A_321 = vector.shape_cast %get3A_320 : vector<1x32x96xbf16> to vector<32x96xbf16>
    %dot_general3A_322 = arith.constant dense<0.000000e+00> : vector<512x96xf32>
    %dot_general3A_323 = tpu.matmul %slice3A_316, %get3A_321, %dot_general3A_322 {dimension_numbers = #tpu.dot_dimension_numbers<[1], [0], [0], [1], [0, 0, 1, 1], [], []>, transpose_lhs_hint = false} : vector<512x32xbf16>, vector<32x96xbf16>, vector<512x96xf32> -> vector<512x96xf32>
    %add3A_324 = arith.addf %dot_general3A_310, %dot_general3A_323 : vector<512x96xf32>
    %get3A_325 = arith.constant 1 : index
    %get3A_326 = arith.constant 0 : index
    %get3A_327 = arith.constant 0 : index
    %get3A_328 = vector.load %arg1[%get3A_325, %get3A_326, %get3A_327] : memref<3x512x256xbf16, #tpu.memory_space<vmem>>, vector<1x512x256xbf16>
    %get3A_329 = vector.shape_cast %get3A_328 : vector<1x512x256xbf16> to vector<512x256xbf16>
    %slice3A_330 = vector.extract_strided_slice %get3A_329 {offsets = [0, 96], sizes = [512, 32], strides = [1, 1]} : vector<512x256xbf16> to vector<512x32xbf16>
    %get3A_331 = arith.constant 2 : index
    %get3A_332 = arith.constant 0 : index
    %get3A_333 = arith.constant 0 : index
    %get3A_334 = vector.load %arg4[%get3A_331, %get3A_332, %get3A_333] : memref<4x32x96xbf16, #tpu.memory_space<vmem>>, vector<1x32x96xbf16>
    %get3A_335 = vector.shape_cast %get3A_334 : vector<1x32x96xbf16> to vector<32x96xbf16>
    %dot_general3A_336 = arith.constant dense<0.000000e+00> : vector<512x96xf32>
    %dot_general3A_337 = tpu.matmul %slice3A_330, %get3A_335, %dot_general3A_336 {dimension_numbers = #tpu.dot_dimension_numbers<[1], [0], [0], [1], [0, 0, 1, 1], [], []>, transpose_lhs_hint = false} : vector<512x32xbf16>, vector<32x96xbf16>, vector<512x96xf32> -> vector<512x96xf32>
    %add3A_338 = arith.addf %add3A_324, %dot_general3A_337 : vector<512x96xf32>
    %get3A_339 = arith.constant 2 : index
    %get3A_340 = arith.constant 0 : index
    %get3A_341 = arith.constant 0 : index
    %get3A_342 = vector.load %arg1[%get3A_339, %get3A_340, %get3A_341] : memref<3x512x256xbf16, #tpu.memory_space<vmem>>, vector<1x512x256xbf16>
    %get3A_343 = vector.shape_cast %get3A_342 : vector<1x512x256xbf16> to vector<512x256xbf16>
    %slice3A_344 = vector.extract_strided_slice %get3A_343 {offsets = [0, 96], sizes = [512, 32], strides = [1, 1]} : vector<512x256xbf16> to vector<512x32xbf16>
    %get3A_345 = arith.constant 3 : index
    %get3A_346 = arith.constant 0 : index
    %get3A_347 = arith.constant 0 : index
    %get3A_348 = vector.load %arg4[%get3A_345, %get3A_346, %get3A_347] : memref<4x32x96xbf16, #tpu.memory_space<vmem>>, vector<1x32x96xbf16>
    %get3A_349 = vector.shape_cast %get3A_348 : vector<1x32x96xbf16> to vector<32x96xbf16>
    %dot_general3A_350 = arith.constant dense<0.000000e+00> : vector<512x96xf32>
    %dot_general3A_351 = tpu.matmul %slice3A_344, %get3A_349, %dot_general3A_350 {dimension_numbers = #tpu.dot_dimension_numbers<[1], [0], [0], [1], [0, 0, 1, 1], [], []>, transpose_lhs_hint = false} : vector<512x32xbf16>, vector<32x96xbf16>, vector<512x96xf32> -> vector<512x96xf32>
    %add3A_352 = arith.addf %add3A_338, %dot_general3A_351 : vector<512x96xf32>
    %get3A_353 = arith.constant 0 : index
    %get3A_354 = arith.constant 0 : index
    %get3A_355 = vector.load %arg5[%get3A_353, %get3A_354] : memref<1x96xf32, #tpu.memory_space<vmem>>, vector<1x96xf32>
    %get3A_356 = vector.shape_cast %get3A_355 : vector<1x96xf32> to vector<96xf32>
    %broadcast_in_dim3A_357 = vector.shape_cast %get3A_356 : vector<96xf32> to vector<1x96xf32>
    %add3A_358 = vector.broadcast %broadcast_in_dim3A_357 : vector<1x96xf32> to vector<512x96xf32>
    %add3A_359 = arith.addf %add3A_352, %add3A_358 : vector<512x96xf32>
    %reduce_sum3A_360 = arith.constant dense<0.000000e+00> : vector<512xf32>
    %reduce_sum3A_361 = vector.multi_reduction <add>, %add3A_359, %reduce_sum3A_360 [1] : vector<512x96xf32> to vector<512xf32>
    %broadcast_in_dim3A_362 = vector.shape_cast %reduce_sum3A_361 : vector<512xf32> to vector<512x1xf32>
    %div3A_363 = arith.constant 9.600000e+01 : f32
    %div3A_364 = vector.broadcast %div3A_363 : f32 to vector<512x1xf32>
    %div3A_365 = arith.divf %broadcast_in_dim3A_362, %div3A_364 : vector<512x1xf32>
    %sub3A_366 = vector.broadcast %div3A_365 : vector<512x1xf32> to vector<512x96xf32>
    %sub3A_367 = arith.subf %add3A_359, %sub3A_366 : vector<512x96xf32>
    %mul3A_368 = arith.mulf %sub3A_367, %sub3A_367 : vector<512x96xf32>
    %reduce_sum3A_369 = arith.constant dense<0.000000e+00> : vector<512xf32>
    %reduce_sum3A_370 = vector.multi_reduction <add>, %mul3A_368, %reduce_sum3A_369 [1] : vector<512x96xf32> to vector<512xf32>
    %broadcast_in_dim3A_371 = vector.shape_cast %reduce_sum3A_370 : vector<512xf32> to vector<512x1xf32>
    %div3A_372 = arith.constant 9.600000e+01 : f32
    %div3A_373 = vector.broadcast %div3A_372 : f32 to vector<512x1xf32>
    %div3A_374 = arith.divf %broadcast_in_dim3A_371, %div3A_373 : vector<512x1xf32>
    %add3A_375 = arith.constant 9.99999974E-6 : f32
    %add3A_376 = vector.broadcast %add3A_375 : f32 to vector<512x1xf32>
    %add3A_377 = arith.addf %div3A_374, %add3A_376 : vector<512x1xf32>
    %rsqrt3A_378 = math.rsqrt %add3A_377 : vector<512x1xf32>
    %mul3A_379 = vector.broadcast %rsqrt3A_378 : vector<512x1xf32> to vector<512x96xf32>
    %mul3A_380 = arith.mulf %sub3A_367, %mul3A_379 : vector<512x96xf32>
    %get3A_381 = arith.constant 0 : index
    %get3A_382 = arith.constant 0 : index
    %get3A_383 = vector.load %arg6[%get3A_381, %get3A_382] : memref<1x96xf32, #tpu.memory_space<vmem>>, vector<1x96xf32>
    %get3A_384 = vector.shape_cast %get3A_383 : vector<1x96xf32> to vector<96xf32>
    %broadcast_in_dim3A_385 = vector.shape_cast %get3A_384 : vector<96xf32> to vector<1x96xf32>
    %mul3A_386 = vector.broadcast %broadcast_in_dim3A_385 : vector<1x96xf32> to vector<512x96xf32>
    %mul3A_387 = arith.mulf %mul3A_380, %mul3A_386 : vector<512x96xf32>
    %get3A_388 = arith.constant 0 : index
    %get3A_389 = arith.constant 0 : index
    %get3A_390 = vector.load %arg7[%get3A_388, %get3A_389] : memref<1x96xf32, #tpu.memory_space<vmem>>, vector<1x96xf32>
    %get3A_391 = vector.shape_cast %get3A_390 : vector<1x96xf32> to vector<96xf32>
    %broadcast_in_dim3A_392 = vector.shape_cast %get3A_391 : vector<96xf32> to vector<1x96xf32>
    %add3A_393 = vector.broadcast %broadcast_in_dim3A_392 : vector<1x96xf32> to vector<512x96xf32>
    %add3A_394 = arith.addf %mul3A_387, %add3A_393 : vector<512x96xf32>
    %swap3A_395 = arith.constant 3 : index
    %swap3A_396 = arith.constant 0 : index
    %swap3A_397 = tpu.strided_load %arg8[%swap3A_395, %swap3A_396] {strides = array<i32: 8, 1>} : memref<4096x96xf32, #tpu.memory_space<vmem>>, vector<512x96xf32>
    tpu.strided_store %arg8[%swap3A_395, %swap3A_396], %add3A_394 {strides = array<i32: 8, 1>} : memref<4096x96xf32, #tpu.memory_space<vmem>>, vector<512x96xf32>
    %get3A_398 = arith.constant 0 : index
    %get3A_399 = arith.constant 4 : index
    %get3A_400 = arith.constant 0 : index
    %get3A_401 = vector.load %arg2[%get3A_398, %get3A_399, %get3A_400] : memref<1x8x512xi32, #tpu.memory_space<vmem>>, vector<1x1x512xi32>
    %get3A_402 = vector.shape_cast %get3A_401 : vector<1x1x512xi32> to vector<512xi32>
    %broadcast_in_dim3A_403 = vector.shape_cast %get3A_402 : vector<512xi32> to vector<512x1xi32>
    %eq3A_404 = vector.broadcast %broadcast_in_dim3A_403 : vector<512x1xi32> to vector<512x8xi32>
    %eq3A_405 = arith.cmpi eq, %eq3A_404, %iota3A : vector<512x8xi32>
    %convert_element_type3A_406 = arith.extui %eq3A_405 : vector<512x8xi1> to vector<512x8xi32>
    %convert_element_type3A_407 = arith.sitofp %convert_element_type3A_406 : vector<512x8xi32> to vector<512x8xf32>
    %convert_element_type3A_408 = arith.truncf %convert_element_type3A_407 : vector<512x8xf32> to vector<512x8xbf16>
    %dot_general3A_409 = arith.constant dense<0.000000e+00> : vector<512x96xf32>
    %dot_general3A_410 = tpu.matmul %convert_element_type3A_408, %convert_element_type3A, %dot_general3A_409 {dimension_numbers = #tpu.dot_dimension_numbers<[1], [0], [0], [1], [0, 0, 1, 1], [], []>, transpose_lhs_hint = false} : vector<512x8xbf16>, vector<8x96xbf16>, vector<512x96xf32> -> vector<512x96xf32>
    %get3A_411 = arith.constant 0 : index
    %get3A_412 = arith.constant 0 : index
    %get3A_413 = arith.constant 0 : index
    %get3A_414 = vector.load %arg1[%get3A_411, %get3A_412, %get3A_413] : memref<3x512x256xbf16, #tpu.memory_space<vmem>>, vector<1x512x256xbf16>
    %get3A_415 = vector.shape_cast %get3A_414 : vector<1x512x256xbf16> to vector<512x256xbf16>
    %slice3A_416 = vector.extract_strided_slice %get3A_415 {offsets = [0, 128], sizes = [512, 32], strides = [1, 1]} : vector<512x256xbf16> to vector<512x32xbf16>
    %get3A_417 = arith.constant 1 : index
    %get3A_418 = arith.constant 0 : index
    %get3A_419 = arith.constant 0 : index
    %get3A_420 = vector.load %arg4[%get3A_417, %get3A_418, %get3A_419] : memref<4x32x96xbf16, #tpu.memory_space<vmem>>, vector<1x32x96xbf16>
    %get3A_421 = vector.shape_cast %get3A_420 : vector<1x32x96xbf16> to vector<32x96xbf16>
    %dot_general3A_422 = arith.constant dense<0.000000e+00> : vector<512x96xf32>
    %dot_general3A_423 = tpu.matmul %slice3A_416, %get3A_421, %dot_general3A_422 {dimension_numbers = #tpu.dot_dimension_numbers<[1], [0], [0], [1], [0, 0, 1, 1], [], []>, transpose_lhs_hint = false} : vector<512x32xbf16>, vector<32x96xbf16>, vector<512x96xf32> -> vector<512x96xf32>
    %add3A_424 = arith.addf %dot_general3A_410, %dot_general3A_423 : vector<512x96xf32>
    %get3A_425 = arith.constant 1 : index
    %get3A_426 = arith.constant 0 : index
    %get3A_427 = arith.constant 0 : index
    %get3A_428 = vector.load %arg1[%get3A_425, %get3A_426, %get3A_427] : memref<3x512x256xbf16, #tpu.memory_space<vmem>>, vector<1x512x256xbf16>
    %get3A_429 = vector.shape_cast %get3A_428 : vector<1x512x256xbf16> to vector<512x256xbf16>
    %slice3A_430 = vector.extract_strided_slice %get3A_429 {offsets = [0, 128], sizes = [512, 32], strides = [1, 1]} : vector<512x256xbf16> to vector<512x32xbf16>
    %get3A_431 = arith.constant 2 : index
    %get3A_432 = arith.constant 0 : index
    %get3A_433 = arith.constant 0 : index
    %get3A_434 = vector.load %arg4[%get3A_431, %get3A_432, %get3A_433] : memref<4x32x96xbf16, #tpu.memory_space<vmem>>, vector<1x32x96xbf16>
    %get3A_435 = vector.shape_cast %get3A_434 : vector<1x32x96xbf16> to vector<32x96xbf16>
    %dot_general3A_436 = arith.constant dense<0.000000e+00> : vector<512x96xf32>
    %dot_general3A_437 = tpu.matmul %slice3A_430, %get3A_435, %dot_general3A_436 {dimension_numbers = #tpu.dot_dimension_numbers<[1], [0], [0], [1], [0, 0, 1, 1], [], []>, transpose_lhs_hint = false} : vector<512x32xbf16>, vector<32x96xbf16>, vector<512x96xf32> -> vector<512x96xf32>
    %add3A_438 = arith.addf %add3A_424, %dot_general3A_437 : vector<512x96xf32>
    %get3A_439 = arith.constant 2 : index
    %get3A_440 = arith.constant 0 : index
    %get3A_441 = arith.constant 0 : index
    %get3A_442 = vector.load %arg1[%get3A_439, %get3A_440, %get3A_441] : memref<3x512x256xbf16, #tpu.memory_space<vmem>>, vector<1x512x256xbf16>
    %get3A_443 = vector.shape_cast %get3A_442 : vector<1x512x256xbf16> to vector<512x256xbf16>
    %slice3A_444 = vector.extract_strided_slice %get3A_443 {offsets = [0, 128], sizes = [512, 32], strides = [1, 1]} : vector<512x256xbf16> to vector<512x32xbf16>
    %get3A_445 = arith.constant 3 : index
    %get3A_446 = arith.constant 0 : index
    %get3A_447 = arith.constant 0 : index
    %get3A_448 = vector.load %arg4[%get3A_445, %get3A_446, %get3A_447] : memref<4x32x96xbf16, #tpu.memory_space<vmem>>, vector<1x32x96xbf16>
    %get3A_449 = vector.shape_cast %get3A_448 : vector<1x32x96xbf16> to vector<32x96xbf16>
    %dot_general3A_450 = arith.constant dense<0.000000e+00> : vector<512x96xf32>
    %dot_general3A_451 = tpu.matmul %slice3A_444, %get3A_449, %dot_general3A_450 {dimension_numbers = #tpu.dot_dimension_numbers<[1], [0], [0], [1], [0, 0, 1, 1], [], []>, transpose_lhs_hint = false} : vector<512x32xbf16>, vector<32x96xbf16>, vector<512x96xf32> -> vector<512x96xf32>
    %add3A_452 = arith.addf %add3A_438, %dot_general3A_451 : vector<512x96xf32>
    %get3A_453 = arith.constant 0 : index
    %get3A_454 = arith.constant 0 : index
    %get3A_455 = vector.load %arg5[%get3A_453, %get3A_454] : memref<1x96xf32, #tpu.memory_space<vmem>>, vector<1x96xf32>
    %get3A_456 = vector.shape_cast %get3A_455 : vector<1x96xf32> to vector<96xf32>
    %broadcast_in_dim3A_457 = vector.shape_cast %get3A_456 : vector<96xf32> to vector<1x96xf32>
    %add3A_458 = vector.broadcast %broadcast_in_dim3A_457 : vector<1x96xf32> to vector<512x96xf32>
    %add3A_459 = arith.addf %add3A_452, %add3A_458 : vector<512x96xf32>
    %reduce_sum3A_460 = arith.constant dense<0.000000e+00> : vector<512xf32>
    %reduce_sum3A_461 = vector.multi_reduction <add>, %add3A_459, %reduce_sum3A_460 [1] : vector<512x96xf32> to vector<512xf32>
    %broadcast_in_dim3A_462 = vector.shape_cast %reduce_sum3A_461 : vector<512xf32> to vector<512x1xf32>
    %div3A_463 = arith.constant 9.600000e+01 : f32
    %div3A_464 = vector.broadcast %div3A_463 : f32 to vector<512x1xf32>
    %div3A_465 = arith.divf %broadcast_in_dim3A_462, %div3A_464 : vector<512x1xf32>
    %sub3A_466 = vector.broadcast %div3A_465 : vector<512x1xf32> to vector<512x96xf32>
    %sub3A_467 = arith.subf %add3A_459, %sub3A_466 : vector<512x96xf32>
    %mul3A_468 = arith.mulf %sub3A_467, %sub3A_467 : vector<512x96xf32>
    %reduce_sum3A_469 = arith.constant dense<0.000000e+00> : vector<512xf32>
    %reduce_sum3A_470 = vector.multi_reduction <add>, %mul3A_468, %reduce_sum3A_469 [1] : vector<512x96xf32> to vector<512xf32>
    %broadcast_in_dim3A_471 = vector.shape_cast %reduce_sum3A_470 : vector<512xf32> to vector<512x1xf32>
    %div3A_472 = arith.constant 9.600000e+01 : f32
    %div3A_473 = vector.broadcast %div3A_472 : f32 to vector<512x1xf32>
    %div3A_474 = arith.divf %broadcast_in_dim3A_471, %div3A_473 : vector<512x1xf32>
    %add3A_475 = arith.constant 9.99999974E-6 : f32
    %add3A_476 = vector.broadcast %add3A_475 : f32 to vector<512x1xf32>
    %add3A_477 = arith.addf %div3A_474, %add3A_476 : vector<512x1xf32>
    %rsqrt3A_478 = math.rsqrt %add3A_477 : vector<512x1xf32>
    %mul3A_479 = vector.broadcast %rsqrt3A_478 : vector<512x1xf32> to vector<512x96xf32>
    %mul3A_480 = arith.mulf %sub3A_467, %mul3A_479 : vector<512x96xf32>
    %get3A_481 = arith.constant 0 : index
    %get3A_482 = arith.constant 0 : index
    %get3A_483 = vector.load %arg6[%get3A_481, %get3A_482] : memref<1x96xf32, #tpu.memory_space<vmem>>, vector<1x96xf32>
    %get3A_484 = vector.shape_cast %get3A_483 : vector<1x96xf32> to vector<96xf32>
    %broadcast_in_dim3A_485 = vector.shape_cast %get3A_484 : vector<96xf32> to vector<1x96xf32>
    %mul3A_486 = vector.broadcast %broadcast_in_dim3A_485 : vector<1x96xf32> to vector<512x96xf32>
    %mul3A_487 = arith.mulf %mul3A_480, %mul3A_486 : vector<512x96xf32>
    %get3A_488 = arith.constant 0 : index
    %get3A_489 = arith.constant 0 : index
    %get3A_490 = vector.load %arg7[%get3A_488, %get3A_489] : memref<1x96xf32, #tpu.memory_space<vmem>>, vector<1x96xf32>
    %get3A_491 = vector.shape_cast %get3A_490 : vector<1x96xf32> to vector<96xf32>
    %broadcast_in_dim3A_492 = vector.shape_cast %get3A_491 : vector<96xf32> to vector<1x96xf32>
    %add3A_493 = vector.broadcast %broadcast_in_dim3A_492 : vector<1x96xf32> to vector<512x96xf32>
    %add3A_494 = arith.addf %mul3A_487, %add3A_493 : vector<512x96xf32>
    %swap3A_495 = arith.constant 4 : index
    %swap3A_496 = arith.constant 0 : index
    %swap3A_497 = tpu.strided_load %arg8[%swap3A_495, %swap3A_496] {strides = array<i32: 8, 1>} : memref<4096x96xf32, #tpu.memory_space<vmem>>, vector<512x96xf32>
    tpu.strided_store %arg8[%swap3A_495, %swap3A_496], %add3A_494 {strides = array<i32: 8, 1>} : memref<4096x96xf32, #tpu.memory_space<vmem>>, vector<512x96xf32>
    %get3A_498 = arith.constant 0 : index
    %get3A_499 = arith.constant 5 : index
    %get3A_500 = arith.constant 0 : index
    %get3A_501 = vector.load %arg2[%get3A_498, %get3A_499, %get3A_500] : memref<1x8x512xi32, #tpu.memory_space<vmem>>, vector<1x1x512xi32>
    %get3A_502 = vector.shape_cast %get3A_501 : vector<1x1x512xi32> to vector<512xi32>
    %broadcast_in_dim3A_503 = vector.shape_cast %get3A_502 : vector<512xi32> to vector<512x1xi32>
    %eq3A_504 = vector.broadcast %broadcast_in_dim3A_503 : vector<512x1xi32> to vector<512x8xi32>
    %eq3A_505 = arith.cmpi eq, %eq3A_504, %iota3A : vector<512x8xi32>
    %convert_element_type3A_506 = arith.extui %eq3A_505 : vector<512x8xi1> to vector<512x8xi32>
    %convert_element_type3A_507 = arith.sitofp %convert_element_type3A_506 : vector<512x8xi32> to vector<512x8xf32>
    %convert_element_type3A_508 = arith.truncf %convert_element_type3A_507 : vector<512x8xf32> to vector<512x8xbf16>
    %dot_general3A_509 = arith.constant dense<0.000000e+00> : vector<512x96xf32>
    %dot_general3A_510 = tpu.matmul %convert_element_type3A_508, %convert_element_type3A, %dot_general3A_509 {dimension_numbers = #tpu.dot_dimension_numbers<[1], [0], [0], [1], [0, 0, 1, 1], [], []>, transpose_lhs_hint = false} : vector<512x8xbf16>, vector<8x96xbf16>, vector<512x96xf32> -> vector<512x96xf32>
    %get3A_511 = arith.constant 0 : index
    %get3A_512 = arith.constant 0 : index
    %get3A_513 = arith.constant 0 : index
    %get3A_514 = vector.load %arg1[%get3A_511, %get3A_512, %get3A_513] : memref<3x512x256xbf16, #tpu.memory_space<vmem>>, vector<1x512x256xbf16>
    %get3A_515 = vector.shape_cast %get3A_514 : vector<1x512x256xbf16> to vector<512x256xbf16>
    %slice3A_516 = vector.extract_strided_slice %get3A_515 {offsets = [0, 160], sizes = [512, 32], strides = [1, 1]} : vector<512x256xbf16> to vector<512x32xbf16>
    %get3A_517 = arith.constant 1 : index
    %get3A_518 = arith.constant 0 : index
    %get3A_519 = arith.constant 0 : index
    %get3A_520 = vector.load %arg4[%get3A_517, %get3A_518, %get3A_519] : memref<4x32x96xbf16, #tpu.memory_space<vmem>>, vector<1x32x96xbf16>
    %get3A_521 = vector.shape_cast %get3A_520 : vector<1x32x96xbf16> to vector<32x96xbf16>
    %dot_general3A_522 = arith.constant dense<0.000000e+00> : vector<512x96xf32>
    %dot_general3A_523 = tpu.matmul %slice3A_516, %get3A_521, %dot_general3A_522 {dimension_numbers = #tpu.dot_dimension_numbers<[1], [0], [0], [1], [0, 0, 1, 1], [], []>, transpose_lhs_hint = false} : vector<512x32xbf16>, vector<32x96xbf16>, vector<512x96xf32> -> vector<512x96xf32>
    %add3A_524 = arith.addf %dot_general3A_510, %dot_general3A_523 : vector<512x96xf32>
    %get3A_525 = arith.constant 1 : index
    %get3A_526 = arith.constant 0 : index
    %get3A_527 = arith.constant 0 : index
    %get3A_528 = vector.load %arg1[%get3A_525, %get3A_526, %get3A_527] : memref<3x512x256xbf16, #tpu.memory_space<vmem>>, vector<1x512x256xbf16>
    %get3A_529 = vector.shape_cast %get3A_528 : vector<1x512x256xbf16> to vector<512x256xbf16>
    %slice3A_530 = vector.extract_strided_slice %get3A_529 {offsets = [0, 160], sizes = [512, 32], strides = [1, 1]} : vector<512x256xbf16> to vector<512x32xbf16>
    %get3A_531 = arith.constant 2 : index
    %get3A_532 = arith.constant 0 : index
    %get3A_533 = arith.constant 0 : index
    %get3A_534 = vector.load %arg4[%get3A_531, %get3A_532, %get3A_533] : memref<4x32x96xbf16, #tpu.memory_space<vmem>>, vector<1x32x96xbf16>
    %get3A_535 = vector.shape_cast %get3A_534 : vector<1x32x96xbf16> to vector<32x96xbf16>
    %dot_general3A_536 = arith.constant dense<0.000000e+00> : vector<512x96xf32>
    %dot_general3A_537 = tpu.matmul %slice3A_530, %get3A_535, %dot_general3A_536 {dimension_numbers = #tpu.dot_dimension_numbers<[1], [0], [0], [1], [0, 0, 1, 1], [], []>, transpose_lhs_hint = false} : vector<512x32xbf16>, vector<32x96xbf16>, vector<512x96xf32> -> vector<512x96xf32>
    %add3A_538 = arith.addf %add3A_524, %dot_general3A_537 : vector<512x96xf32>
    %get3A_539 = arith.constant 2 : index
    %get3A_540 = arith.constant 0 : index
    %get3A_541 = arith.constant 0 : index
    %get3A_542 = vector.load %arg1[%get3A_539, %get3A_540, %get3A_541] : memref<3x512x256xbf16, #tpu.memory_space<vmem>>, vector<1x512x256xbf16>
    %get3A_543 = vector.shape_cast %get3A_542 : vector<1x512x256xbf16> to vector<512x256xbf16>
    %slice3A_544 = vector.extract_strided_slice %get3A_543 {offsets = [0, 160], sizes = [512, 32], strides = [1, 1]} : vector<512x256xbf16> to vector<512x32xbf16>
    %get3A_545 = arith.constant 3 : index
    %get3A_546 = arith.constant 0 : index
    %get3A_547 = arith.constant 0 : index
    %get3A_548 = vector.load %arg4[%get3A_545, %get3A_546, %get3A_547] : memref<4x32x96xbf16, #tpu.memory_space<vmem>>, vector<1x32x96xbf16>
    %get3A_549 = vector.shape_cast %get3A_548 : vector<1x32x96xbf16> to vector<32x96xbf16>
    %dot_general3A_550 = arith.constant dense<0.000000e+00> : vector<512x96xf32>
    %dot_general3A_551 = tpu.matmul %slice3A_544, %get3A_549, %dot_general3A_550 {dimension_numbers = #tpu.dot_dimension_numbers<[1], [0], [0], [1], [0, 0, 1, 1], [], []>, transpose_lhs_hint = false} : vector<512x32xbf16>, vector<32x96xbf16>, vector<512x96xf32> -> vector<512x96xf32>
    %add3A_552 = arith.addf %add3A_538, %dot_general3A_551 : vector<512x96xf32>
    %get3A_553 = arith.constant 0 : index
    %get3A_554 = arith.constant 0 : index
    %get3A_555 = vector.load %arg5[%get3A_553, %get3A_554] : memref<1x96xf32, #tpu.memory_space<vmem>>, vector<1x96xf32>
    %get3A_556 = vector.shape_cast %get3A_555 : vector<1x96xf32> to vector<96xf32>
    %broadcast_in_dim3A_557 = vector.shape_cast %get3A_556 : vector<96xf32> to vector<1x96xf32>
    %add3A_558 = vector.broadcast %broadcast_in_dim3A_557 : vector<1x96xf32> to vector<512x96xf32>
    %add3A_559 = arith.addf %add3A_552, %add3A_558 : vector<512x96xf32>
    %reduce_sum3A_560 = arith.constant dense<0.000000e+00> : vector<512xf32>
    %reduce_sum3A_561 = vector.multi_reduction <add>, %add3A_559, %reduce_sum3A_560 [1] : vector<512x96xf32> to vector<512xf32>
    %broadcast_in_dim3A_562 = vector.shape_cast %reduce_sum3A_561 : vector<512xf32> to vector<512x1xf32>
    %div3A_563 = arith.constant 9.600000e+01 : f32
    %div3A_564 = vector.broadcast %div3A_563 : f32 to vector<512x1xf32>
    %div3A_565 = arith.divf %broadcast_in_dim3A_562, %div3A_564 : vector<512x1xf32>
    %sub3A_566 = vector.broadcast %div3A_565 : vector<512x1xf32> to vector<512x96xf32>
    %sub3A_567 = arith.subf %add3A_559, %sub3A_566 : vector<512x96xf32>
    %mul3A_568 = arith.mulf %sub3A_567, %sub3A_567 : vector<512x96xf32>
    %reduce_sum3A_569 = arith.constant dense<0.000000e+00> : vector<512xf32>
    %reduce_sum3A_570 = vector.multi_reduction <add>, %mul3A_568, %reduce_sum3A_569 [1] : vector<512x96xf32> to vector<512xf32>
    %broadcast_in_dim3A_571 = vector.shape_cast %reduce_sum3A_570 : vector<512xf32> to vector<512x1xf32>
    %div3A_572 = arith.constant 9.600000e+01 : f32
    %div3A_573 = vector.broadcast %div3A_572 : f32 to vector<512x1xf32>
    %div3A_574 = arith.divf %broadcast_in_dim3A_571, %div3A_573 : vector<512x1xf32>
    %add3A_575 = arith.constant 9.99999974E-6 : f32
    %add3A_576 = vector.broadcast %add3A_575 : f32 to vector<512x1xf32>
    %add3A_577 = arith.addf %div3A_574, %add3A_576 : vector<512x1xf32>
    %rsqrt3A_578 = math.rsqrt %add3A_577 : vector<512x1xf32>
    %mul3A_579 = vector.broadcast %rsqrt3A_578 : vector<512x1xf32> to vector<512x96xf32>
    %mul3A_580 = arith.mulf %sub3A_567, %mul3A_579 : vector<512x96xf32>
    %get3A_581 = arith.constant 0 : index
    %get3A_582 = arith.constant 0 : index
    %get3A_583 = vector.load %arg6[%get3A_581, %get3A_582] : memref<1x96xf32, #tpu.memory_space<vmem>>, vector<1x96xf32>
    %get3A_584 = vector.shape_cast %get3A_583 : vector<1x96xf32> to vector<96xf32>
    %broadcast_in_dim3A_585 = vector.shape_cast %get3A_584 : vector<96xf32> to vector<1x96xf32>
    %mul3A_586 = vector.broadcast %broadcast_in_dim3A_585 : vector<1x96xf32> to vector<512x96xf32>
    %mul3A_587 = arith.mulf %mul3A_580, %mul3A_586 : vector<512x96xf32>
    %get3A_588 = arith.constant 0 : index
    %get3A_589 = arith.constant 0 : index
    %get3A_590 = vector.load %arg7[%get3A_588, %get3A_589] : memref<1x96xf32, #tpu.memory_space<vmem>>, vector<1x96xf32>
    %get3A_591 = vector.shape_cast %get3A_590 : vector<1x96xf32> to vector<96xf32>
    %broadcast_in_dim3A_592 = vector.shape_cast %get3A_591 : vector<96xf32> to vector<1x96xf32>
    %add3A_593 = vector.broadcast %broadcast_in_dim3A_592 : vector<1x96xf32> to vector<512x96xf32>
    %add3A_594 = arith.addf %mul3A_587, %add3A_593 : vector<512x96xf32>
    %swap3A_595 = arith.constant 5 : index
    %swap3A_596 = arith.constant 0 : index
    %swap3A_597 = tpu.strided_load %arg8[%swap3A_595, %swap3A_596] {strides = array<i32: 8, 1>} : memref<4096x96xf32, #tpu.memory_space<vmem>>, vector<512x96xf32>
    tpu.strided_store %arg8[%swap3A_595, %swap3A_596], %add3A_594 {strides = array<i32: 8, 1>} : memref<4096x96xf32, #tpu.memory_space<vmem>>, vector<512x96xf32>
    %get3A_598 = arith.constant 0 : index
    %get3A_599 = arith.constant 6 : index
    %get3A_600 = arith.constant 0 : index
    %get3A_601 = vector.load %arg2[%get3A_598, %get3A_599, %get3A_600] : memref<1x8x512xi32, #tpu.memory_space<vmem>>, vector<1x1x512xi32>
    %get3A_602 = vector.shape_cast %get3A_601 : vector<1x1x512xi32> to vector<512xi32>
    %broadcast_in_dim3A_603 = vector.shape_cast %get3A_602 : vector<512xi32> to vector<512x1xi32>
    %eq3A_604 = vector.broadcast %broadcast_in_dim3A_603 : vector<512x1xi32> to vector<512x8xi32>
    %eq3A_605 = arith.cmpi eq, %eq3A_604, %iota3A : vector<512x8xi32>
    %convert_element_type3A_606 = arith.extui %eq3A_605 : vector<512x8xi1> to vector<512x8xi32>
    %convert_element_type3A_607 = arith.sitofp %convert_element_type3A_606 : vector<512x8xi32> to vector<512x8xf32>
    %convert_element_type3A_608 = arith.truncf %convert_element_type3A_607 : vector<512x8xf32> to vector<512x8xbf16>
    %dot_general3A_609 = arith.constant dense<0.000000e+00> : vector<512x96xf32>
    %dot_general3A_610 = tpu.matmul %convert_element_type3A_608, %convert_element_type3A, %dot_general3A_609 {dimension_numbers = #tpu.dot_dimension_numbers<[1], [0], [0], [1], [0, 0, 1, 1], [], []>, transpose_lhs_hint = false} : vector<512x8xbf16>, vector<8x96xbf16>, vector<512x96xf32> -> vector<512x96xf32>
    %get3A_611 = arith.constant 0 : index
    %get3A_612 = arith.constant 0 : index
    %get3A_613 = arith.constant 0 : index
    %get3A_614 = vector.load %arg1[%get3A_611, %get3A_612, %get3A_613] : memref<3x512x256xbf16, #tpu.memory_space<vmem>>, vector<1x512x256xbf16>
    %get3A_615 = vector.shape_cast %get3A_614 : vector<1x512x256xbf16> to vector<512x256xbf16>
    %slice3A_616 = vector.extract_strided_slice %get3A_615 {offsets = [0, 192], sizes = [512, 32], strides = [1, 1]} : vector<512x256xbf16> to vector<512x32xbf16>
    %get3A_617 = arith.constant 1 : index
    %get3A_618 = arith.constant 0 : index
    %get3A_619 = arith.constant 0 : index
    %get3A_620 = vector.load %arg4[%get3A_617, %get3A_618, %get3A_619] : memref<4x32x96xbf16, #tpu.memory_space<vmem>>, vector<1x32x96xbf16>
    %get3A_621 = vector.shape_cast %get3A_620 : vector<1x32x96xbf16> to vector<32x96xbf16>
    %dot_general3A_622 = arith.constant dense<0.000000e+00> : vector<512x96xf32>
    %dot_general3A_623 = tpu.matmul %slice3A_616, %get3A_621, %dot_general3A_622 {dimension_numbers = #tpu.dot_dimension_numbers<[1], [0], [0], [1], [0, 0, 1, 1], [], []>, transpose_lhs_hint = false} : vector<512x32xbf16>, vector<32x96xbf16>, vector<512x96xf32> -> vector<512x96xf32>
    %add3A_624 = arith.addf %dot_general3A_610, %dot_general3A_623 : vector<512x96xf32>
    %get3A_625 = arith.constant 1 : index
    %get3A_626 = arith.constant 0 : index
    %get3A_627 = arith.constant 0 : index
    %get3A_628 = vector.load %arg1[%get3A_625, %get3A_626, %get3A_627] : memref<3x512x256xbf16, #tpu.memory_space<vmem>>, vector<1x512x256xbf16>
    %get3A_629 = vector.shape_cast %get3A_628 : vector<1x512x256xbf16> to vector<512x256xbf16>
    %slice3A_630 = vector.extract_strided_slice %get3A_629 {offsets = [0, 192], sizes = [512, 32], strides = [1, 1]} : vector<512x256xbf16> to vector<512x32xbf16>
    %get3A_631 = arith.constant 2 : index
    %get3A_632 = arith.constant 0 : index
    %get3A_633 = arith.constant 0 : index
    %get3A_634 = vector.load %arg4[%get3A_631, %get3A_632, %get3A_633] : memref<4x32x96xbf16, #tpu.memory_space<vmem>>, vector<1x32x96xbf16>
    %get3A_635 = vector.shape_cast %get3A_634 : vector<1x32x96xbf16> to vector<32x96xbf16>
    %dot_general3A_636 = arith.constant dense<0.000000e+00> : vector<512x96xf32>
    %dot_general3A_637 = tpu.matmul %slice3A_630, %get3A_635, %dot_general3A_636 {dimension_numbers = #tpu.dot_dimension_numbers<[1], [0], [0], [1], [0, 0, 1, 1], [], []>, transpose_lhs_hint = false} : vector<512x32xbf16>, vector<32x96xbf16>, vector<512x96xf32> -> vector<512x96xf32>
    %add3A_638 = arith.addf %add3A_624, %dot_general3A_637 : vector<512x96xf32>
    %get3A_639 = arith.constant 2 : index
    %get3A_640 = arith.constant 0 : index
    %get3A_641 = arith.constant 0 : index
    %get3A_642 = vector.load %arg1[%get3A_639, %get3A_640, %get3A_641] : memref<3x512x256xbf16, #tpu.memory_space<vmem>>, vector<1x512x256xbf16>
    %get3A_643 = vector.shape_cast %get3A_642 : vector<1x512x256xbf16> to vector<512x256xbf16>
    %slice3A_644 = vector.extract_strided_slice %get3A_643 {offsets = [0, 192], sizes = [512, 32], strides = [1, 1]} : vector<512x256xbf16> to vector<512x32xbf16>
    %get3A_645 = arith.constant 3 : index
    %get3A_646 = arith.constant 0 : index
    %get3A_647 = arith.constant 0 : index
    %get3A_648 = vector.load %arg4[%get3A_645, %get3A_646, %get3A_647] : memref<4x32x96xbf16, #tpu.memory_space<vmem>>, vector<1x32x96xbf16>
    %get3A_649 = vector.shape_cast %get3A_648 : vector<1x32x96xbf16> to vector<32x96xbf16>
    %dot_general3A_650 = arith.constant dense<0.000000e+00> : vector<512x96xf32>
    %dot_general3A_651 = tpu.matmul %slice3A_644, %get3A_649, %dot_general3A_650 {dimension_numbers = #tpu.dot_dimension_numbers<[1], [0], [0], [1], [0, 0, 1, 1], [], []>, transpose_lhs_hint = false} : vector<512x32xbf16>, vector<32x96xbf16>, vector<512x96xf32> -> vector<512x96xf32>
    %add3A_652 = arith.addf %add3A_638, %dot_general3A_651 : vector<512x96xf32>
    %get3A_653 = arith.constant 0 : index
    %get3A_654 = arith.constant 0 : index
    %get3A_655 = vector.load %arg5[%get3A_653, %get3A_654] : memref<1x96xf32, #tpu.memory_space<vmem>>, vector<1x96xf32>
    %get3A_656 = vector.shape_cast %get3A_655 : vector<1x96xf32> to vector<96xf32>
    %broadcast_in_dim3A_657 = vector.shape_cast %get3A_656 : vector<96xf32> to vector<1x96xf32>
    %add3A_658 = vector.broadcast %broadcast_in_dim3A_657 : vector<1x96xf32> to vector<512x96xf32>
    %add3A_659 = arith.addf %add3A_652, %add3A_658 : vector<512x96xf32>
    %reduce_sum3A_660 = arith.constant dense<0.000000e+00> : vector<512xf32>
    %reduce_sum3A_661 = vector.multi_reduction <add>, %add3A_659, %reduce_sum3A_660 [1] : vector<512x96xf32> to vector<512xf32>
    %broadcast_in_dim3A_662 = vector.shape_cast %reduce_sum3A_661 : vector<512xf32> to vector<512x1xf32>
    %div3A_663 = arith.constant 9.600000e+01 : f32
    %div3A_664 = vector.broadcast %div3A_663 : f32 to vector<512x1xf32>
    %div3A_665 = arith.divf %broadcast_in_dim3A_662, %div3A_664 : vector<512x1xf32>
    %sub3A_666 = vector.broadcast %div3A_665 : vector<512x1xf32> to vector<512x96xf32>
    %sub3A_667 = arith.subf %add3A_659, %sub3A_666 : vector<512x96xf32>
    %mul3A_668 = arith.mulf %sub3A_667, %sub3A_667 : vector<512x96xf32>
    %reduce_sum3A_669 = arith.constant dense<0.000000e+00> : vector<512xf32>
    %reduce_sum3A_670 = vector.multi_reduction <add>, %mul3A_668, %reduce_sum3A_669 [1] : vector<512x96xf32> to vector<512xf32>
    %broadcast_in_dim3A_671 = vector.shape_cast %reduce_sum3A_670 : vector<512xf32> to vector<512x1xf32>
    %div3A_672 = arith.constant 9.600000e+01 : f32
    %div3A_673 = vector.broadcast %div3A_672 : f32 to vector<512x1xf32>
    %div3A_674 = arith.divf %broadcast_in_dim3A_671, %div3A_673 : vector<512x1xf32>
    %add3A_675 = arith.constant 9.99999974E-6 : f32
    %add3A_676 = vector.broadcast %add3A_675 : f32 to vector<512x1xf32>
    %add3A_677 = arith.addf %div3A_674, %add3A_676 : vector<512x1xf32>
    %rsqrt3A_678 = math.rsqrt %add3A_677 : vector<512x1xf32>
    %mul3A_679 = vector.broadcast %rsqrt3A_678 : vector<512x1xf32> to vector<512x96xf32>
    %mul3A_680 = arith.mulf %sub3A_667, %mul3A_679 : vector<512x96xf32>
    %get3A_681 = arith.constant 0 : index
    %get3A_682 = arith.constant 0 : index
    %get3A_683 = vector.load %arg6[%get3A_681, %get3A_682] : memref<1x96xf32, #tpu.memory_space<vmem>>, vector<1x96xf32>
    %get3A_684 = vector.shape_cast %get3A_683 : vector<1x96xf32> to vector<96xf32>
    %broadcast_in_dim3A_685 = vector.shape_cast %get3A_684 : vector<96xf32> to vector<1x96xf32>
    %mul3A_686 = vector.broadcast %broadcast_in_dim3A_685 : vector<1x96xf32> to vector<512x96xf32>
    %mul3A_687 = arith.mulf %mul3A_680, %mul3A_686 : vector<512x96xf32>
    %get3A_688 = arith.constant 0 : index
    %get3A_689 = arith.constant 0 : index
    %get3A_690 = vector.load %arg7[%get3A_688, %get3A_689] : memref<1x96xf32, #tpu.memory_space<vmem>>, vector<1x96xf32>
    %get3A_691 = vector.shape_cast %get3A_690 : vector<1x96xf32> to vector<96xf32>
    %broadcast_in_dim3A_692 = vector.shape_cast %get3A_691 : vector<96xf32> to vector<1x96xf32>
    %add3A_693 = vector.broadcast %broadcast_in_dim3A_692 : vector<1x96xf32> to vector<512x96xf32>
    %add3A_694 = arith.addf %mul3A_687, %add3A_693 : vector<512x96xf32>
    %swap3A_695 = arith.constant 6 : index
    %swap3A_696 = arith.constant 0 : index
    %swap3A_697 = tpu.strided_load %arg8[%swap3A_695, %swap3A_696] {strides = array<i32: 8, 1>} : memref<4096x96xf32, #tpu.memory_space<vmem>>, vector<512x96xf32>
    tpu.strided_store %arg8[%swap3A_695, %swap3A_696], %add3A_694 {strides = array<i32: 8, 1>} : memref<4096x96xf32, #tpu.memory_space<vmem>>, vector<512x96xf32>
    %get3A_698 = arith.constant 0 : index
    %get3A_699 = arith.constant 7 : index
    %get3A_700 = arith.constant 0 : index
    %get3A_701 = vector.load %arg2[%get3A_698, %get3A_699, %get3A_700] : memref<1x8x512xi32, #tpu.memory_space<vmem>>, vector<1x1x512xi32>
    %get3A_702 = vector.shape_cast %get3A_701 : vector<1x1x512xi32> to vector<512xi32>
    %broadcast_in_dim3A_703 = vector.shape_cast %get3A_702 : vector<512xi32> to vector<512x1xi32>
    %eq3A_704 = vector.broadcast %broadcast_in_dim3A_703 : vector<512x1xi32> to vector<512x8xi32>
    %eq3A_705 = arith.cmpi eq, %eq3A_704, %iota3A : vector<512x8xi32>
    %convert_element_type3A_706 = arith.extui %eq3A_705 : vector<512x8xi1> to vector<512x8xi32>
    %convert_element_type3A_707 = arith.sitofp %convert_element_type3A_706 : vector<512x8xi32> to vector<512x8xf32>
    %convert_element_type3A_708 = arith.truncf %convert_element_type3A_707 : vector<512x8xf32> to vector<512x8xbf16>
    %dot_general3A_709 = arith.constant dense<0.000000e+00> : vector<512x96xf32>
    %dot_general3A_710 = tpu.matmul %convert_element_type3A_708, %convert_element_type3A, %dot_general3A_709 {dimension_numbers = #tpu.dot_dimension_numbers<[1], [0], [0], [1], [0, 0, 1, 1], [], []>, transpose_lhs_hint = false} : vector<512x8xbf16>, vector<8x96xbf16>, vector<512x96xf32> -> vector<512x96xf32>
    %get3A_711 = arith.constant 0 : index
    %get3A_712 = arith.constant 0 : index
    %get3A_713 = arith.constant 0 : index
    %get3A_714 = vector.load %arg1[%get3A_711, %get3A_712, %get3A_713] : memref<3x512x256xbf16, #tpu.memory_space<vmem>>, vector<1x512x256xbf16>
    %get3A_715 = vector.shape_cast %get3A_714 : vector<1x512x256xbf16> to vector<512x256xbf16>
    %slice3A_716 = vector.extract_strided_slice %get3A_715 {offsets = [0, 224], sizes = [512, 32], strides = [1, 1]} : vector<512x256xbf16> to vector<512x32xbf16>
    %get3A_717 = arith.constant 1 : index
    %get3A_718 = arith.constant 0 : index
    %get3A_719 = arith.constant 0 : index
    %get3A_720 = vector.load %arg4[%get3A_717, %get3A_718, %get3A_719] : memref<4x32x96xbf16, #tpu.memory_space<vmem>>, vector<1x32x96xbf16>
    %get3A_721 = vector.shape_cast %get3A_720 : vector<1x32x96xbf16> to vector<32x96xbf16>
    %dot_general3A_722 = arith.constant dense<0.000000e+00> : vector<512x96xf32>
    %dot_general3A_723 = tpu.matmul %slice3A_716, %get3A_721, %dot_general3A_722 {dimension_numbers = #tpu.dot_dimension_numbers<[1], [0], [0], [1], [0, 0, 1, 1], [], []>, transpose_lhs_hint = false} : vector<512x32xbf16>, vector<32x96xbf16>, vector<512x96xf32> -> vector<512x96xf32>
    %add3A_724 = arith.addf %dot_general3A_710, %dot_general3A_723 : vector<512x96xf32>
    %get3A_725 = arith.constant 1 : index
    %get3A_726 = arith.constant 0 : index
    %get3A_727 = arith.constant 0 : index
    %get3A_728 = vector.load %arg1[%get3A_725, %get3A_726, %get3A_727] : memref<3x512x256xbf16, #tpu.memory_space<vmem>>, vector<1x512x256xbf16>
    %get3A_729 = vector.shape_cast %get3A_728 : vector<1x512x256xbf16> to vector<512x256xbf16>
    %slice3A_730 = vector.extract_strided_slice %get3A_729 {offsets = [0, 224], sizes = [512, 32], strides = [1, 1]} : vector<512x256xbf16> to vector<512x32xbf16>
    %get3A_731 = arith.constant 2 : index
    %get3A_732 = arith.constant 0 : index
    %get3A_733 = arith.constant 0 : index
    %get3A_734 = vector.load %arg4[%get3A_731, %get3A_732, %get3A_733] : memref<4x32x96xbf16, #tpu.memory_space<vmem>>, vector<1x32x96xbf16>
    %get3A_735 = vector.shape_cast %get3A_734 : vector<1x32x96xbf16> to vector<32x96xbf16>
    %dot_general3A_736 = arith.constant dense<0.000000e+00> : vector<512x96xf32>
    %dot_general3A_737 = tpu.matmul %slice3A_730, %get3A_735, %dot_general3A_736 {dimension_numbers = #tpu.dot_dimension_numbers<[1], [0], [0], [1], [0, 0, 1, 1], [], []>, transpose_lhs_hint = false} : vector<512x32xbf16>, vector<32x96xbf16>, vector<512x96xf32> -> vector<512x96xf32>
    %add3A_738 = arith.addf %add3A_724, %dot_general3A_737 : vector<512x96xf32>
    %get3A_739 = arith.constant 2 : index
    %get3A_740 = arith.constant 0 : index
    %get3A_741 = arith.constant 0 : index
    %get3A_742 = vector.load %arg1[%get3A_739, %get3A_740, %get3A_741] : memref<3x512x256xbf16, #tpu.memory_space<vmem>>, vector<1x512x256xbf16>
    %get3A_743 = vector.shape_cast %get3A_742 : vector<1x512x256xbf16> to vector<512x256xbf16>
    %slice3A_744 = vector.extract_strided_slice %get3A_743 {offsets = [0, 224], sizes = [512, 32], strides = [1, 1]} : vector<512x256xbf16> to vector<512x32xbf16>
    %get3A_745 = arith.constant 3 : index
    %get3A_746 = arith.constant 0 : index
    %get3A_747 = arith.constant 0 : index
    %get3A_748 = vector.load %arg4[%get3A_745, %get3A_746, %get3A_747] : memref<4x32x96xbf16, #tpu.memory_space<vmem>>, vector<1x32x96xbf16>
    %get3A_749 = vector.shape_cast %get3A_748 : vector<1x32x96xbf16> to vector<32x96xbf16>
    %dot_general3A_750 = arith.constant dense<0.000000e+00> : vector<512x96xf32>
    %dot_general3A_751 = tpu.matmul %slice3A_744, %get3A_749, %dot_general3A_750 {dimension_numbers = #tpu.dot_dimension_numbers<[1], [0], [0], [1], [0, 0, 1, 1], [], []>, transpose_lhs_hint = false} : vector<512x32xbf16>, vector<32x96xbf16>, vector<512x96xf32> -> vector<512x96xf32>
    %add3A_752 = arith.addf %add3A_738, %dot_general3A_751 : vector<512x96xf32>
    %get3A_753 = arith.constant 0 : index
    %get3A_754 = arith.constant 0 : index
    %get3A_755 = vector.load %arg5[%get3A_753, %get3A_754] : memref<1x96xf32, #tpu.memory_space<vmem>>, vector<1x96xf32>
    %get3A_756 = vector.shape_cast %get3A_755 : vector<1x96xf32> to vector<96xf32>
    %broadcast_in_dim3A_757 = vector.shape_cast %get3A_756 : vector<96xf32> to vector<1x96xf32>
    %add3A_758 = vector.broadcast %broadcast_in_dim3A_757 : vector<1x96xf32> to vector<512x96xf32>
    %add3A_759 = arith.addf %add3A_752, %add3A_758 : vector<512x96xf32>
    %reduce_sum3A_760 = arith.constant dense<0.000000e+00> : vector<512xf32>
    %reduce_sum3A_761 = vector.multi_reduction <add>, %add3A_759, %reduce_sum3A_760 [1] : vector<512x96xf32> to vector<512xf32>
    %broadcast_in_dim3A_762 = vector.shape_cast %reduce_sum3A_761 : vector<512xf32> to vector<512x1xf32>
    %div3A_763 = arith.constant 9.600000e+01 : f32
    %div3A_764 = vector.broadcast %div3A_763 : f32 to vector<512x1xf32>
    %div3A_765 = arith.divf %broadcast_in_dim3A_762, %div3A_764 : vector<512x1xf32>
    %sub3A_766 = vector.broadcast %div3A_765 : vector<512x1xf32> to vector<512x96xf32>
    %sub3A_767 = arith.subf %add3A_759, %sub3A_766 : vector<512x96xf32>
    %mul3A_768 = arith.mulf %sub3A_767, %sub3A_767 : vector<512x96xf32>
    %reduce_sum3A_769 = arith.constant dense<0.000000e+00> : vector<512xf32>
    %reduce_sum3A_770 = vector.multi_reduction <add>, %mul3A_768, %reduce_sum3A_769 [1] : vector<512x96xf32> to vector<512xf32>
    %broadcast_in_dim3A_771 = vector.shape_cast %reduce_sum3A_770 : vector<512xf32> to vector<512x1xf32>
    %div3A_772 = arith.constant 9.600000e+01 : f32
    %div3A_773 = vector.broadcast %div3A_772 : f32 to vector<512x1xf32>
    %div3A_774 = arith.divf %broadcast_in_dim3A_771, %div3A_773 : vector<512x1xf32>
    %add3A_775 = arith.constant 9.99999974E-6 : f32
    %add3A_776 = vector.broadcast %add3A_775 : f32 to vector<512x1xf32>
    %add3A_777 = arith.addf %div3A_774, %add3A_776 : vector<512x1xf32>
    %rsqrt3A_778 = math.rsqrt %add3A_777 : vector<512x1xf32>
    %mul3A_779 = vector.broadcast %rsqrt3A_778 : vector<512x1xf32> to vector<512x96xf32>
    %mul3A_780 = arith.mulf %sub3A_767, %mul3A_779 : vector<512x96xf32>
    %get3A_781 = arith.constant 0 : index
    %get3A_782 = arith.constant 0 : index
    %get3A_783 = vector.load %arg6[%get3A_781, %get3A_782] : memref<1x96xf32, #tpu.memory_space<vmem>>, vector<1x96xf32>
    %get3A_784 = vector.shape_cast %get3A_783 : vector<1x96xf32> to vector<96xf32>
    %broadcast_in_dim3A_785 = vector.shape_cast %get3A_784 : vector<96xf32> to vector<1x96xf32>
    %mul3A_786 = vector.broadcast %broadcast_in_dim3A_785 : vector<1x96xf32> to vector<512x96xf32>
    %mul3A_787 = arith.mulf %mul3A_780, %mul3A_786 : vector<512x96xf32>
    %get3A_788 = arith.constant 0 : index
    %get3A_789 = arith.constant 0 : index
    %get3A_790 = vector.load %arg7[%get3A_788, %get3A_789] : memref<1x96xf32, #tpu.memory_space<vmem>>, vector<1x96xf32>
    %get3A_791 = vector.shape_cast %get3A_790 : vector<1x96xf32> to vector<96xf32>
    %broadcast_in_dim3A_792 = vector.shape_cast %get3A_791 : vector<96xf32> to vector<1x96xf32>
    %add3A_793 = vector.broadcast %broadcast_in_dim3A_792 : vector<1x96xf32> to vector<512x96xf32>
    %add3A_794 = arith.addf %mul3A_787, %add3A_793 : vector<512x96xf32>
    %swap3A_795 = arith.constant 7 : index
    %swap3A_796 = arith.constant 0 : index
    %swap3A_797 = tpu.strided_load %arg8[%swap3A_795, %swap3A_796] {strides = array<i32: 8, 1>} : memref<4096x96xf32, #tpu.memory_space<vmem>>, vector<512x96xf32>
    tpu.strided_store %arg8[%swap3A_795, %swap3A_796], %add3A_794 {strides = array<i32: 8, 1>} : memref<4096x96xf32, #tpu.memory_space<vmem>>, vector<512x96xf32>
    return
  }
  func.func @transform_0(%arg0: i32) -> (i32, i32, i32) {
    %c0_i32 = arith.constant 0 : i32
    %c0_i32_0 = arith.constant 0 : i32
    %c0_i32_1 = arith.constant 0 : i32
    return %c0_i32, %arg0, %c0_i32_0 : i32, i32, i32
  }
  func.func @transform_1(%arg0: i32) -> (i32, i32, i32) {
    %c0_i32 = arith.constant 0 : i32
    %c0_i32_0 = arith.constant 0 : i32
    %c0_i32_1 = arith.constant 0 : i32
    return %arg0, %c0_i32, %c0_i32_0 : i32, i32, i32
  }
  func.func @transform_2(%arg0: i32) -> (i32, i32) {
    %c0_i32 = arith.constant 0 : i32
    %c0_i32_0 = arith.constant 0 : i32
    %c0_i32_1 = arith.constant 0 : i32
    return %c0_i32, %c0_i32_0 : i32, i32
  }
  func.func @transform_3(%arg0: i32) -> (i32, i32, i32) {
    %c0_i32 = arith.constant 0 : i32
    %c0_i32_0 = arith.constant 0 : i32
    %c0_i32_1 = arith.constant 0 : i32
    %c0_i32_2 = arith.constant 0 : i32
    return %c0_i32, %c0_i32_0, %c0_i32_1 : i32, i32, i32
  }
  func.func @transform_4(%arg0: i32) -> (i32, i32) {
    %c0_i32 = arith.constant 0 : i32
    %c0_i32_0 = arith.constant 0 : i32
    %c0_i32_1 = arith.constant 0 : i32
    return %c0_i32, %c0_i32_0 : i32, i32
  }
  func.func @transform_5(%arg0: i32) -> (i32, i32) {
    %c0_i32 = arith.constant 0 : i32
    %c0_i32_0 = arith.constant 0 : i32
    %c0_i32_1 = arith.constant 0 : i32
    return %c0_i32, %c0_i32_0 : i32, i32
  }
  func.func @transform_6(%arg0: i32) -> (i32, i32) {
    %c0_i32 = arith.constant 0 : i32
    %c0_i32_0 = arith.constant 0 : i32
    %c0_i32_1 = arith.constant 0 : i32
    return %c0_i32, %c0_i32_0 : i32, i32
  }
  func.func @transform_7(%arg0: i32) -> (i32, i32) {
    %c0_i32 = arith.constant 0 : i32
    %c0_i32_0 = arith.constant 0 : i32
    return %arg0, %c0_i32 : i32, i32
  }
}

</mosaic_0001>

<sc_bundles>
// kernel: kernel.4.cloned.1.call-start
scs
__scs_entry_jumppad:
0x0: {  	(pc) =	sbr.rel $0x88, $3  }
0x1: {  	(tag) =	ssettag $0x0;
	lr =	simm.s32 $0x1  }
0x2: {  	[smem:$0x3F95] =	sst lr;
	_ =	strace $0xD0000000  }
0x3: {  	_ = 	snop  }
0x4: {  	_ = 	snop  }
0x5: {  	_ = 	snop  }
0x6: {  	_ = 	snop  }
0x7: {  	_ = 	snop  }
__scs_overlays_trampoline_lowered:
0x8: {  	[smem:$0x3FA4] =	sst s0  }
0x9: {  	[smem:$0x3FA5] =	sst s1  }
0xa: {  	[smem:$0x3FA6] =	sst s2  }
0xb: {  	[smem:$0x3FA7] =	sst s3  }
0xc: {  	[smem:$0x3FA8] =	sst s4  }
0xd: {  	[smem:$0x3FA9] =	sst s5  }
0xe: {  	[smem:$0x3FAA] =	sst s6  }
0xf: {  	[smem:$0x3FAB] =	sst s7  }
0x10: {  	[smem:$0x3FAC] =	sst s8  }
0x11: {  	[smem:$0x3FAD] =	sst s9;
	s0 =	simm.s32 @!p0 $0x0  }
0x12: {  	s1 =	sld [smem:$0x3F93];
	s0 =	simm.s32 @p0 $0x1  }
0x13: {  	[smem:$0x3FAE] =	sst s0;
	s0 =	simm.s32 @!p1 $0x0  }
0x14: {  	s2 =	sld [smem:$0x3F92];
	s0 =	simm.s32 @p1 $0x1  }
0x15: {  	[smem:$0x3FAF] =	sst s0;
	s0 =	simm.s32 @!p2 $0x0  }
0x16: {  	s3 =	sld [smem:$0x3FDB];
	s0 =	simm.s32 @p2 $0x1  }
0x17: {  	s4 =	simm.s32 $0x1BF5;
	[smem:$0x3FB1] =	sst s0  }
0x18: {  	s0 =	sld [smem:$0x3F94];
	_ =	swait.ge [sflag:s4], $0x0  }
0x19: {  	s7 =	sld [smem:$0x3F95]  }
0x1a: {  	s8 =	sadd.s32 $0xFFFFE003, lr  }
0x1b: {  	s9 =	sadd.s32 $0xFFFFFEF7, lr;
	s5 =	simm.s32 $0xFFFFFFFF;
	p2 =	slt.u32 s8, $0xFFFFF086  }
0x1c: {  	p1 =	slt.u32 s9, $0xF7A;
	s5 =	simm.s32 @!p2 $0x0  }
0x1d: {  	s5 =	simm.s32 @p1 $0x1;
	p0 =	seq.s32 s7, s2  }
0x1e: {  	s7 =	smul.u32 @!p0 $0xF7A, s2;
	p2 =	seq.s32 @!p0 s5, $0x0  }
0x1f: {  	s9 =	smul.u32 $0xF7A, s1;
	s8 =	simm.s32 @!p0 $0x1BF5;
	p2 =	por !p2, p0  }
0x20: {  	[sflag:s8] =	ssyncset.s32 @!p0 $0xFFFFF086;
	s6 =	sadd.s32 @!p0 s3, s7;
	s7 =	simm.s32 @!p0 $0x108  }
0x21: {  	s3 =	sadd.s32 s3, s9;
	s6 =	sadd.s32 @!p0 $0x88, s6;
	s7 =	simm.s32 @p2 $0x1082  }
0x22: {  	[simem:s7], [sflag:s8] =	dma.local @!p0 [hbm:s6], $0xF7A  }
0x23: {  	s9 =	sor.u32 $0xD0000000, s2;
	s6 =	simm.s32 $0x108;
	_ =	swait.ge @!p0 [sflag:s8], $0x0  }
0x24: {  	s3 =	sadd.s32 $0x88, s3;
	s6 =	simm.s32 @!p1 $0x1082;
	[sflag:s4] =	ssyncset.s32 $0xFFFFF086  }
0x25: {  	[simem:s6], [sflag:s4] =	dma.local [hbm:s3], $0xF7A  }
0x26: {  	[smem:$0x3F95] =	sst s1;
	(tag) =	ssettag s2;
	_ =	strace s9  }
0x27: {  	s1 =	sld [smem:$0x3FA5]  }
0x28: {  	s2 =	sld [smem:$0x3FA6]  }
0x29: {  	s4 =	sld [smem:$0x3FA8]  }
0x2a: {  	p0 =	seq.s32 s5, $0x0;
	s5 =	sld [smem:$0x3FA9]  }
0x2b: {  	s6 =	sld [smem:$0x3FAA]  }
0x2c: {  	s7 =	sld [smem:$0x3FAB]  }
0x2d: {  	s3 =	simm.s32 $0x108;
	s8 =	sld [smem:$0x3FAC]  }
0x2e: {  	s3 =	simm.s32 @!p0 $0x1082;
	s9 =	sld [smem:$0x3FAD]  }
0x2f: {  	lr =	sadd.s32 s0, s3;
	s0 =	sld [smem:$0x3FA4]  }
0x30: {  	s3 =	sld [smem:$0x3FA7]  }
0x31: {  	[smem:$0x3FB0] =	sst s10  }
0x32: {  	s10 =	sld [smem:$0x3FAE];
	_ =	sdelay $0x3  }
0x33: {  	p0 =	seq.s32 s10, $0x1;
	s10 =	sld [smem:$0x3FB0];
	_ =	sdelay $0x3  }
0x34: {  	[smem:$0x3FB0] =	sst s10  }
0x35: {  	s10 =	sld [smem:$0x3FAF];
	_ =	sdelay $0x3  }
0x36: {  	p1 =	seq.s32 s10, $0x1;
	s10 =	sld [smem:$0x3FB0];
	_ =	sdelay $0x3  }
0x37: {  	[smem:$0x3FB0] =	sst s10  }
0x38: {  	s10 =	sld [smem:$0x3FB1]  }
0x39: {  	_ = 	snop;
	(pc) =	sbr.ind lr, $3  }
0x3a: {  	_ = 	snop  }
0x3b: {  	_ = 	snop  }
0x3c: {  	p2 =	seq.s32 s10, $0x1;
	s10 =	sld [smem:$0x3FB0]  }
0x3d: {  	_ =	shalt  }
0x3e: {  	_ =	shalt  }
0x3f: {  	_ =	shalt  }
0x40: {  	_ =	shalt  }
0x41: {  	_ =	shalt  }
0x42: {  	_ =	shalt  }
0x43: {  	_ =	shalt  }
0x44: {  	_ =	shalt  }
0x45: {  	_ =	shalt  }
0x46: {  	_ =	shalt  }
0x47: {  	_ =	shalt  }
0x48: {  	_ =	shalt  }
0x49: {  	_ =	shalt  }
0x4a: {  	_ =	shalt  }
0x4b: {  	_ =	shalt  }
0x4c: {  	_ =	shalt  }
0x4d: {  	_ =	shalt  }
0x4e: {  	_ =	shalt  }
0x4f: {  	_ =	shalt  }
0x50: {  	_ =	shalt  }
0x51: {  	_ =	shalt  }
0x52: {  	_ =	shalt  }
0x53: {  	_ =	shalt  }
0x54: {  	_ =	shalt  }
0x55: {  	_ =	shalt  }
0x56: {  	_ =	shalt  }
0x57: {  	_ =	shalt  }
0x58: {  	_ =	shalt  }
0x59: {  	_ =	shalt  }
0x5a: {  	_ =	shalt  }
0x5b: {  	_ =	shalt  }
0x5c: {  	_ =	shalt  }
0x5d: {  	_ =	shalt  }
0x5e: {  	_ =	shalt  }
0x5f: {  	_ =	shalt  }
0x60: {  	_ =	shalt  }
0x61: {  	_ =	shalt  }
0x62: {  	_ =	shalt  }
0x63: {  	_ =	shalt  }
0x64: {  	_ =	shalt  }
0x65: {  	_ =	shalt  }
0x66: {  	_ =	shalt  }
0x67: {  	_ =	shalt  }
0x68: {  	_ =	shalt  }
0x69: {  	_ =	shalt  }
0x6a: {  	_ =	shalt  }
0x6b: {  	_ =	shalt  }
0x6c: {  	_ =	shalt  }
0x6d: {  	_ =	shalt  }
0x6e: {  	_ =	shalt  }
0x6f: {  	_ =	shalt  }
0x70: {  	_ =	shalt  }
0x71: {  	_ =	shalt  }
0x72: {  	_ =	shalt  }
0x73: {  	_ =	shalt  }
0x74: {  	_ =	shalt  }
0x75: {  	_ =	shalt  }
0x76: {  	_ =	shalt  }
0x77: {  	_ =	shalt  }
0x78: {  	_ =	shalt  }
0x79: {  	_ =	shalt  }
0x7a: {  	_ =	shalt  }
0x7b: {  	_ =	shalt  }
0x7c: {  	_ =	shalt  }
0x7d: {  	_ =	shalt  }
0x7e: {  	_ =	shalt  }
0x7f: {  	_ =	shalt  }
0x80: {  	_ =	shalt  }
0x81: {  	_ =	shalt  }
0x82: {  	_ =	shalt  }
0x83: {  	_ =	shalt  }
0x84: {  	_ =	shalt  }
0x85: {  	_ =	shalt  }
0x86: {  	_ =	shalt  }
0x87: {  	_ =	shalt  }
.Lfunc_end0:
.L_simem_size_0:
called_computation.1_lowered:
.L_overlay_start_0:
0x88: {  	s2 =	sld [smem:$0x3FD9]  }
0x89: {  	s3 =	sld [smem:$0x3FFE];
	_ =	sdelay $0x1  }
0x8a: {  	s1 =	srdreg.scid  }
0x8b: {  	s0 =	sand.u32 $0x1, s1  }
0x8c: {  	s14 =	sshll.u32 s0, $0xA;
	s2 =	sadd.s32 s3, s2  }
0x8d: {  	s2 =	sadd.s32 s2, s14  }
0x8e: {  	[smem:$0x3FBC] =	sst s2  }
0x8f: {  	_ = 	snop  }
0x90: {  	s2 =	sld [smem:$0x3FD0];
	_ =	sdelay $0x2  }
0x91: {  	s15 =	simm.s32 $0xA;
	s4 =	simm.s32 $0x10  }
0x92: {  	[smem:s4], [sflag:s15] =	dma.local [hbm:s2], $0x1  }
0x93: {  	_ =	swait.eq [sflag:s15], $0x1  }
0x94: {  	[sflag:s15] =	ssyncset.done $0x0  }
0x95: {  	[sflag:s15] =	ssyncadd.s32 $0xFFFFFFFF  }
0x96: {  	s16 =	sld [smem:$0x10];
	(tm) =	ssettm $0x1  }
0x97: {  	s17 =	sld [smem:$0x3FFB];
	_ =	sdelay $0x3  }
0x98: {  	_ =	strace s17  }
0x99: {  	s3 =	sld [smem:$0x3FFC];
	_ =	sdelay $0x3  }
0x9a: {  	_ =	strace s3  }
0x9b: {  	s3 =	sld [smem:$0x3FFD];
	_ =	sdelay $0x3  }
0x9c: {  	_ =	strace s3  }
0x9d: {  	_ =	strace $0x8FFFFFFF  }
0x9e: {  	s18 =	sld [smem:$0x3FDB];
	_ =	sdelay $0x1  }
0x9f: {  	s19 =	simm.s32 $_scs_section_size  }
0xa0: {  	s5 =	simm.s32 $_size__tile_overlayer_lowered;
	s6 =	simm.s32 $_tile_overlayer_lowered  }
0xa1: {  	s22 =	simm.s32 $0x1BFF;
	s21 =	sshll.u32 s6, $0x1;
	s3 =	sadd.s32 s19, s18  }
0xa2: {  	s7 =	simm.s32 $0x0;
	s20 =	sshll.u32 s5, $0x1;
	s5 =	sadd.s32 s21, s3  }
0xa3: {  	[timem:s7], [sflag:s22] =	dma.local [hbm:s5], s20  }
0xa4: {  	_ =	swait.ge [sflag:s22], s20  }
0xa5: {  	s4 =	ssub.s32 $0x0, s20;
	[sflag:s22] =	ssyncset.done $0x0  }
0xa6: {  	[sflag:s22] =	ssyncadd.s32 s4;
	_ =	sdelay $0x1  }
0xa7: {  	s23 =	simm.s32 $0x1B8B  }
0xa8: {  	_ =	swait.ge [sflag:s23], $0x1  }
0xa9: {  	[sflag:s23] =	ssyncset.done $0x0  }
0xaa: {  	s25 =	simm.s32 $0x1B8E;
	s24 =	sld [smem:$0x3FFE];
	[sflag:s23] =	ssyncadd.s32 $0xFFFFFFFF  }
0xab: {  	s26 =	simm.s32 $execute0_lowered;
	[smem:$0x3FD2] =	sst s25  }
0xac: {  	s5 =	sshll.u32 s26, $0x1;
	_ =	strace $0x80000046;
	[dreg:$0x1] =	wrdreg $0xFFFFFFFF  }
0xad: {  	s28 =	simm.s32 $_size_execute0_lowered;
	s3 =	sadd.s32 s3, s5;
	[dreg:$0x0] =	wrdreg $0x0  }
0xae: {  	s5 =	sshll.u32 s28, $0x1;
	[dreg:$0x2] =	wrdreg s3  }
0xaf: {  	[dreg:$0x3] =	wrdreg s5  }
0xb0: {  	[dreg:$0x4] =	wrdreg $0xC0  }
0xb1: {  	_ =	task [dreg:s7], $0x5FFFF  }
0xb2: {  	[dreg:$0x1] =	wrdreg $0xFFFFFFFF  }
0xb3: {  	[dreg:$0x0] =	wrdreg $0x60  }
0xb4: {  	[dreg:$0x2] =	wrdreg s16  }
0xb5: {  	[dreg:$0x3] =	wrdreg s24  }
0xb6: {  	[dreg:$0x4] =	wrdreg $0x0  }
0xb7: {  	[dreg:$0x5] =	wrdreg $0x9  }
0xb8: {  	_ =	task.clear_ibuf [dreg:s7], $0x6FFFF;
	_ =	strace $0x90000046  }
0xb9: {  	s29 =	simm.s32 $0x9;
	_ =	strace $0x80000048  }
0xba: {  	_ =	swait.ge [sflag:s29], $0x1  }
0xbb: {  	[sflag:s29] =	ssyncadd.s32 $0xFFFFFFFF  }
0xbc: {  	_ =	strace $0x90000048  }
0xbd: {  	_ =	sfence  }
0xbe: {  	s30 =	sld [smem:$0x0];
	_ =	sdelay $0x2  }
0xbf: {  	s31 =	sshll.u32 s1, $0xD;
	s1 =	sshrl.u32 s1, $0x2  }
0xc0: {  	s3 =	sand.u32 $0x4000, s31;
	s1 =	sadd.s32 s1, s30  }
0xc1: {  	s0 =	sor.u32 s3, s0;
	s1 =	sshll.u32 s1, $0x11  }
0xc2: {  	s0 =	sor.u32 s1, s0  }
0xc3: {  	s0 =	sadd.s32 $0x8F2B, s0  }
0xc4: {  	[sflag:s0] =	ssyncadd.remote.s32 $0x1  }
0xc5: {  	_ =	sfence.sel $0xFFFF  }
0xc6: {  	[dreg:$0x0] =	wrdreg $0xFFFFFFFF;
	(pc) =	sbr.abs _section_cstart, $3  }
0xc7: {  	[dreg:$0x1] =	wrdreg $0xFFFFFFFF  }
0xc8: {  	_ =	task.clear_ibuf [dreg:s7], $0x2FFFF;
	_ =	strace $0x9FFFFFFF  }
0xc9: {  	(tm) =	ssettm $0x7FFFFFFF  }
tec
execute0_lowered:
.L_overlay_start_1:
0x0: {  	(tag) =	ssettag $0x1  }
0x1: {  	s4 =	rddreg [dreg:$0x0]  }
0x2: {  	s5 =	rddreg [dreg:$0x1]  }
0x3: {  	s1 =	rddreg [dreg:$0x2]  }
0x4: {  	s0 =	rddreg [dreg:$0x3]  }
0x5: {  	s3 =	simm.s32 $0x0;
	s6 =	srdreg.scid;
	s2 =	stileid.u32  }
0x6: {  	s16 =	simm.s32 $0x1B340;
	s17 =	simm.s32 $0x1B480;
	s8 =	smul.u32 $0x36400, s2  }
0x7: {  	s18 =	simm.s32 $0x140;
	s19 =	simm.s32 $0x1B5C0;
	s10 =	smul.u32 $0x6400, s2  }
0x8: {  	[smem:$0x7FF] =	sst s3;
	s7 =	sand.u32 $0x1, s6;
	s23 =	smul.u32 $0x64000, s2  }
0x9: {  	s12 =	sadd.s32 $0x1C00, s5;
	s9 =	sadd.s32 $0x14800, s5;
	s15 =	smul.u32 $0x3200, s2  }
0xa: {  	s24 =	sshll.u32 s2, $0x6;
	_ =	strace $0x80000047;
	s11 =	smul.u32 $0x3200, s7  }
0xb: {  	s6 =	ssub.s32 $0x2, s7;
	s14 =	smul.u32 $0x32000, s7;
	s5 =	sor.u32 $0x1C02, s24  }
0xc: {  	s25 =	smul.u32 $0x1900, s7;
	s20 =	sshrl.u32 s6, $0x1;
	s21 =	sshrl.u32 s8, $0x1  }
0xd: {  	s22 =	sshrl.u32 s8, $0x4;
	s10 =	sadd.s32 s10, s9;
	s6 =	ssub.s32 s6, s20  }
0xe: {  	s13 =	sadd.s32 s21, s1;
	s4 =	sadd.s32 s4, s22;
	s8 =	sadd.s32 s14, s23  }
0xf: {  	s7 =	sadd.s32 s11, s10;
	s14 =	sadd.s32 s25, s15;
	s15 =	simm.s32 $0x1B200  }
0x10: {  	s20 =	simm.s32 $0x1C9C0;
	s21 =	simm.s32 $0x1DDC0;
	s22 =	simm.s32 $0x1  }
0x11: {  	s23 =	simm.s32 $0x0;
	s6 =	smax.u32 s6, $0x1;
	s26 =	sadd.s32 $0x640000, s8  }
0x12: {  	s8 =	sadd.s32 $0xC80000, s8;
	s29 =	sadd.s32 $0x32000, s14;
	s30 =	sshrl.u32 s14, $0x3  }
0x13: {  	s14 =	sadd.s32 $0x64000, s14;
	s13 =	sshrl.u32 s13, $0x3;
	s10 =	sshrl.u32 s26, $0x4  }
0x14: {  	s28 =	sshrl.u32 s8, $0x4;
	s31 =	sshrl.u32 s29, $0x3;
	s14 =	sshrl.u32 s14, $0x3  }
0x15: {  	s8 =	sadd.s32 s10, s9;
	s9 =	sadd.s32 s28, s9;
	s10 =	sadd.s32 s30, s12  }
0x16: {  	s11 =	sadd.s32 s31, s12;
	s12 =	sadd.s32 s14, s12;
	s14 =	simm.s32 $0x2  }
.LBB2_1:
0x17: {  	[spmem:s13], [sflag:s5] =	dma.local [hbm:s4], $0x3640  }
0x18: {  	_ =	swait.ge [sflag:s14], $0x3640  }
0x19: {  	[sflag:s14] =	ssyncset.done $0x0  }
0x1a: {  	[sflag:s14] =	ssyncadd.s32 $0xFFFFC9C0  }
0x1b: {  	[bflag:$0x0] =	sbarrier.arrive $0xFFFF  }
0x1c: {  	[tilespmem:s15], [sflag:$0x2] =	stream.linear.gather [hbm4b:s10+s3], $0x140, $0x38;
	[tilespmem:$0x1F1C0] =	vst v63  }
0x1d: {  	_ =	swait.ge [sflag:s14], $0x140  }
0x1e: {  	[sflag:s14] =	ssyncset.done $0x0  }
0x1f: {  	[sflag:s14] =	ssyncadd.s32 $0xFFFFFEC0  }
0x20: {  	[tilespmem:s16], [sflag:$0x2] =	stream.linear.gather [hbm4b:s11+s3], $0x140, $0x38;
	[tilespmem:$0x1F1C0] =	vst v63  }
0x21: {  	_ =	swait.ge [sflag:s14], $0x140  }
0x22: {  	[sflag:s14] =	ssyncset.done $0x0  }
0x23: {  	[sflag:s14] =	ssyncadd.s32 $0xFFFFFEC0  }
0x24: {  	[tilespmem:s17], [sflag:$0x2] =	stream.linear.gather [hbm4b:s12+s3], $0x140, $0x38;
	[tilespmem:$0x1F1C0] =	vst v63  }
0x25: {  	_ =	swait.ge [sflag:s14], $0x140  }
0x26: {  	[sflag:s14] =	ssyncset.done $0x0  }
0x27: {  	[sflag:s14] =	ssyncadd.s32 $0xFFFFFEC0  }
0x28: {  	[tilespmem:s19], [sflag:$0x1] =	stream.indirect.gather [spmem:s1], $0x10, s15, s18, $0xb8;
	[tilespmem:$0x1F1C0] =	vst v63  }
0x29: {  	_ = 	snop  }
0x2a: {  	[tilespmem:s20], [sflag:$0x1] =	stream.indirect.gather [spmem:s1], $0x10, s16, s18, $0xb8;
	[tilespmem:$0x1F1C0] =	vst v63  }
0x2b: {  	_ = 	snop  }
0x2c: {  	[tilespmem:s21], [sflag:$0x1] =	stream.indirect.gather [spmem:s1], $0x10, s17, s18, $0xb8;
	[tilespmem:$0x1F1C0] =	vst v63  }
0x2d: {  	_ =	swait.ge [sflag:s22], $0x1400  }
0x2e: {  	[sflag:s22] =	ssyncset.done $0x0  }
0x2f: {  	s24 =	sadd.s32 $0x0, s7;
	[sflag:s22] =	ssyncadd.s32 $0xFFFFEC00  }
0x30: {  	[hbm4b:s24+s3] =	stream.linear.scatter [tilespmem:s19], [sflag:$0x2], $0x1400, $0x38;
	[tilespmem:$0x1F1C0] =	vst v63  }
0x31: {  	_ =	swait.ge [sflag:s14], $0x1400  }
0x32: {  	[sflag:s14] =	ssyncset.done $0x0  }
0x33: {  	[sflag:s14] =	ssyncadd.s32 $0xFFFFEC00  }
0x34: {  	_ =	swait.ge [sflag:s22], $0x1400  }
0x35: {  	[sflag:s22] =	ssyncset.done $0x0  }
0x36: {  	s30 =	sadd.s32 $0x0, s8;
	[sflag:s22] =	ssyncadd.s32 $0xFFFFEC00  }
0x37: {  	[hbm4b:s30+s3] =	stream.linear.scatter [tilespmem:s20], [sflag:$0x2], $0x1400, $0x38;
	[tilespmem:$0x1F1C0] =	vst v63  }
0x38: {  	_ =	swait.ge [sflag:s14], $0x1400  }
0x39: {  	[sflag:s14] =	ssyncset.done $0x0  }
0x3a: {  	[sflag:s14] =	ssyncadd.s32 $0xFFFFEC00  }
0x3b: {  	_ =	swait.ge [sflag:s22], $0x1400  }
0x3c: {  	[sflag:s22] =	ssyncset.done $0x0  }
0x3d: {  	s31 =	sadd.s32 $0x0, s9;
	[sflag:s22] =	ssyncadd.s32 $0xFFFFEC00  }
0x3e: {  	[hbm4b:s31+s3] =	stream.linear.scatter [tilespmem:s21], [sflag:$0x2], $0x1400, $0x38;
	[tilespmem:$0x1F1C0] =	vst v63  }
0x3f: {  	s25 =	sadd.s32 $0x28, s12;
	s26 =	smov.u32 s10;
	_ =	swait.ge [sflag:s14], $0x1400  }
0x40: {  	s28 =	smov.u32 s11;
	s24 =	simm.s32 $0x280;
	[sflag:s14] =	ssyncset.done $0x0  }
.LBB2_2:
0x41: {  	[sflag:s14] =	ssyncadd.s32 $0xFFFFEC00  }
0x42: {  	s26 =	sadd.s32 $0x28, s26;
	s28 =	sadd.s32 $0x28, s28;
	s29 =	smov.u32 s24  }
0x43: {  	[tilespmem:s15], [sflag:$0x2] =	stream.linear.gather [hbm4b:s26+s3], $0x140, $0x38;
	[tilespmem:$0x1F1C0] =	vst v63  }
0x44: {  	p0 =	sne.s32 s24, $0x2F80;
	s24 =	sadd.s32 $0x280, s24;
	_ =	swait.ge [sflag:s14], $0x140  }
0x45: {  	[sflag:s14] =	ssyncset.done $0x0  }
0x46: {  	[sflag:s14] =	ssyncadd.s32 $0xFFFFFEC0  }
0x47: {  	[tilespmem:s16], [sflag:$0x2] =	stream.linear.gather [hbm4b:s28+s3], $0x140, $0x38;
	[tilespmem:$0x1F1C0] =	vst v63  }
0x48: {  	_ =	swait.ge [sflag:s14], $0x140  }
0x49: {  	[sflag:s14] =	ssyncset.done $0x0  }
0x4a: {  	[sflag:s14] =	ssyncadd.s32 $0xFFFFFEC0  }
0x4b: {  	[tilespmem:s17], [sflag:$0x2] =	stream.linear.gather [hbm4b:s25+s3], $0x140, $0x38;
	[tilespmem:$0x1F1C0] =	vst v63  }
0x4c: {  	_ =	swait.ge [sflag:s14], $0x140  }
0x4d: {  	[sflag:s14] =	ssyncset.done $0x0  }
0x4e: {  	[sflag:s14] =	ssyncadd.s32 $0xFFFFFEC0  }
0x4f: {  	[tilespmem:s19], [sflag:$0x1] =	stream.indirect.gather [spmem:s1], $0x10, s15, s18, $0xb8;
	[tilespmem:$0x1F1C0] =	vst v63  }
0x50: {  	_ = 	snop  }
0x51: {  	[tilespmem:s20], [sflag:$0x1] =	stream.indirect.gather [spmem:s1], $0x10, s16, s18, $0xb8;
	[tilespmem:$0x1F1C0] =	vst v63  }
0x52: {  	_ = 	snop  }
0x53: {  	[tilespmem:s21], [sflag:$0x1] =	stream.indirect.gather [spmem:s1], $0x10, s17, s18, $0xb8;
	[tilespmem:$0x1F1C0] =	vst v63  }
0x54: {  	_ =	swait.ge [sflag:s22], $0x1400  }
0x55: {  	[sflag:s22] =	ssyncset.done $0x0  }
0x56: {  	s30 =	sadd.s32 s29, s7;
	[sflag:s22] =	ssyncadd.s32 $0xFFFFEC00  }
0x57: {  	[hbm4b:s30+s3] =	stream.linear.scatter [tilespmem:s19], [sflag:$0x2], $0x1400, $0x38;
	[tilespmem:$0x1F1C0] =	vst v63  }
0x58: {  	_ =	swait.ge [sflag:s14], $0x1400  }
0x59: {  	[sflag:s14] =	ssyncset.done $0x0  }
0x5a: {  	[sflag:s14] =	ssyncadd.s32 $0xFFFFEC00  }
0x5b: {  	_ =	swait.ge [sflag:s22], $0x1400  }
0x5c: {  	[sflag:s22] =	ssyncset.done $0x0  }
0x5d: {  	s30 =	sadd.s32 s29, s8;
	[sflag:s22] =	ssyncadd.s32 $0xFFFFEC00  }
0x5e: {  	[hbm4b:s30+s3] =	stream.linear.scatter [tilespmem:s20], [sflag:$0x2], $0x1400, $0x38;
	[tilespmem:$0x1F1C0] =	vst v63  }
0x5f: {  	_ =	swait.ge [sflag:s14], $0x1400  }
0x60: {  	[sflag:s14] =	ssyncset.done $0x0  }
0x61: {  	[sflag:s14] =	ssyncadd.s32 $0xFFFFEC00  }
0x62: {  	_ =	swait.ge [sflag:s22], $0x1400  }
.Ltmp0:
0x63: {  	[sflag:s22] =	ssyncset.done $0x0;
	(pc) =	sbr.rel @p0 .LBB2_2-.Ltmp0, $4  }
0x64: {  	s29 =	sadd.s32 s29, s9;
	[sflag:s22] =	ssyncadd.s32 $0xFFFFEC00  }
0x65: {  	[hbm4b:s29+s3] =	stream.linear.scatter [tilespmem:s21], [sflag:$0x2], $0x1400, $0x38;
	[tilespmem:$0x1F1C0] =	vst v63  }
0x66: {  	_ =	swait.ge [sflag:s14], $0x1400  }
0x67: {  	s25 =	sadd.s32 $0x28, s25;
	[sflag:s14] =	ssyncset.done $0x0  }
0x68: {  	s23 =	sadd.s32 $0x1, s23  }
0x69: {  	p0 =	sne.s32 s23, s6  }
.Ltmp1:
0x6a: {  	_ = 	snop;
	(pc) =	sbr.rel @p0 .LBB2_1-.Ltmp1, $2  }
0x6b: {  	_ =	sdelay $0x2  }
0x6c: {  	[sflag:s14] =	ssyncadd.s32 $0xFFFFEC00  }
0x6d: {  	_ =	sfence.sel $0x180000  }
0x6e: {  	[bflag:$0x0] =	sbarrier.arrive $0xFFFF  }
0x6f: {  	p0 =	sne.s32 s2, $0x0;
	_ =	strace $0x90000047  }
0x70: {  	s0 =	sadd.s32 @!p0 $0x100000, s0;
	[bflag:$0x2] =	sbarrier.arrive $0xFFFF  }
0x71: {  	[sflag:s0] =	ssyncadd.tile.s32 @!p0 $0x1;
	_ =	shalt  }
.Lfunc_end2:
_tile_overlayer_lowered:
.L_overlay_start_2:
0x72: {  	(tag) =	ssettag $0x2  }
0x73: {  	s0 =	rddreg [dreg:$0x0];
	s2 =	stileid.u32  }
0x74: {  	s1 =	rddreg [dreg:$0x1];
	p0 =	sne.s32 s2, $0x0  }
0x75: {  	s3 =	rddreg [dreg:$0x2];
	[bflag:$0x3] =	sbarrier.arrive $0xFFFF;
	s2 =	simm.s32 @!p0 $0x1C02  }
0x76: {  	[timem:s3], [sflag:s2] =	dma.local @!p0 [hbm:s0], s1  }
0x77: {  	s0 =	simm.s32 @!p0 $0x2  }
0x78: {  	_ =	swait.ge @!p0 [sflag:s0], s1  }
0x79: {  	s1 =	ssub.s32 @!p0 $0x0, s1;
	[sflag:s0] =	ssyncset.done @!p0 $0x0  }
0x7a: {  	[sflag:s0] =	ssyncadd.s32 @!p0 s1  }
0x7b: {  	[bflag:$0x3] =	sbarrier.arrive $0xFFFF  }
0x7c: {  	_ =	shalt  }

// kernel: sparse-core-data-format-call.cloned.1.call-start
scs
called_computation_lowered:
.L_overlay_start_0:
0x0: {  	s2 =	sld [smem:$0x3FD9]  }
0x1: {  	s3 =	sld [smem:$0x3FFE];
	_ =	sdelay $0x1  }
0x2: {  	s1 =	srdreg.scid  }
0x3: {  	s0 =	sand.u32 $0x1, s1  }
0x4: {  	s15 =	sshll.u32 s0, $0xA;
	s2 =	sadd.s32 s3, s2  }
0x5: {  	s2 =	sadd.s32 s2, s15  }
0x6: {  	[smem:$0x3FBC] =	sst s2  }
0x7: {  	_ = 	snop  }
0x8: {  	s2 =	sld [smem:$0x3FD0];
	_ =	sdelay $0x2  }
0x9: {  	s16 =	simm.s32 $0xA;
	s4 =	simm.s32 $0x10  }
0xa: {  	[smem:s4], [sflag:s16] =	dma.local [hbm:s2], $0x1  }
0xb: {  	_ =	swait.eq [sflag:s16], $0x1  }
0xc: {  	[sflag:s16] =	ssyncset.done $0x0  }
0xd: {  	[sflag:s16] =	ssyncadd.s32 $0xFFFFFFFF  }
0xe: {  	s17 =	sld [smem:$0x10];
	(tm) =	ssettm $0x1  }
0xf: {  	s18 =	sld [smem:$0x3FFB];
	_ =	sdelay $0x3  }
0x10: {  	_ =	strace s18  }
0x11: {  	s3 =	sld [smem:$0x3FFC];
	_ =	sdelay $0x3  }
0x12: {  	_ =	strace s3  }
0x13: {  	s3 =	sld [smem:$0x3FFD];
	_ =	sdelay $0x3  }
0x14: {  	_ =	strace s3  }
0x15: {  	_ =	strace $0x8FFFFFFF  }
0x16: {  	s19 =	sld [smem:$0x3FDB];
	_ =	sdelay $0x1  }
0x17: {  	s20 =	simm.s32 $_scs_section_size  }
0x18: {  	s5 =	simm.s32 $_size__tile_overlayer_lowered;
	s6 =	simm.s32 $_tile_overlayer_lowered  }
0x19: {  	s23 =	simm.s32 $0x1BFF;
	s22 =	sshll.u32 s6, $0x1;
	s3 =	sadd.s32 s20, s19  }
0x1a: {  	s7 =	simm.s32 $0x0;
	s21 =	sshll.u32 s5, $0x1;
	s5 =	sadd.s32 s22, s3  }
0x1b: {  	[timem:s7], [sflag:s23] =	dma.local [hbm:s5], s21  }
0x1c: {  	_ =	swait.ge [sflag:s23], s21  }
0x1d: {  	s4 =	ssub.s32 $0x0, s21;
	[sflag:s23] =	ssyncset.done $0x0  }
0x1e: {  	[sflag:s23] =	ssyncadd.s32 s4;
	_ =	sdelay $0x1  }
0x1f: {  	s24 =	simm.s32 $0x1B8B  }
0x20: {  	_ =	swait.ge [sflag:s24], $0x1  }
0x21: {  	[sflag:s24] =	ssyncset.done $0x0  }
0x22: {  	s26 =	simm.s32 $0x1B8E;
	s25 =	sld [smem:$0x3FFE];
	[sflag:s24] =	ssyncadd.s32 $0xFFFFFFFF  }
0x23: {  	s27 =	simm.s32 $execute0_lowered;
	[smem:$0x3FD2] =	sst s26  }
0x24: {  	s5 =	sshll.u32 s27, $0x1;
	_ =	strace $0x80000049;
	[dreg:$0x1] =	wrdreg $0xFFFFFFFF  }
0x25: {  	s28 =	simm.s32 $_size_execute0_lowered;
	s3 =	sadd.s32 s3, s5;
	[dreg:$0x0] =	wrdreg $0x0  }
0x26: {  	s5 =	sshll.u32 s28, $0x1;
	[dreg:$0x2] =	wrdreg s3  }
0x27: {  	[dreg:$0x3] =	wrdreg s5  }
0x28: {  	[dreg:$0x4] =	wrdreg $0xC0  }
0x29: {  	_ =	task [dreg:s7], $0x5FFFF  }
0x2a: {  	[dreg:$0x1] =	wrdreg $0xFFFFFFFF  }
0x2b: {  	[dreg:$0x0] =	wrdreg $0x60  }
0x2c: {  	[dreg:$0x2] =	wrdreg s25  }
0x2d: {  	[dreg:$0x3] =	wrdreg s17  }
0x2e: {  	[dreg:$0x4] =	wrdreg $0x9  }
0x2f: {  	_ =	task.clear_ibuf [dreg:s7], $0x5FFFF;
	_ =	strace $0x90000049  }
0x30: {  	s29 =	simm.s32 $0x9;
	_ =	strace $0x8000004B  }
0x31: {  	_ =	swait.ge [sflag:s29], $0x1  }
0x32: {  	[sflag:s29] =	ssyncadd.s32 $0xFFFFFFFF  }
0x33: {  	_ =	strace $0x9000004B  }
0x34: {  	_ =	sfence  }
0x35: {  	s30 =	sld [smem:$0x0];
	_ =	sdelay $0x2  }
0x36: {  	s31 =	sshll.u32 s1, $0xD;
	s1 =	sshrl.u32 s1, $0x2  }
0x37: {  	s3 =	sand.u32 $0x4000, s31;
	s1 =	sadd.s32 s1, s30  }
0x38: {  	s0 =	sor.u32 s3, s0;
	s1 =	sshll.u32 s1, $0x11  }
0x39: {  	s0 =	sor.u32 s1, s0  }
0x3a: {  	s0 =	sadd.s32 $0x8F2B, s0  }
0x3b: {  	[sflag:s0] =	ssyncadd.remote.s32 $0x1  }
0x3c: {  	_ =	sfence.sel $0xFFFF  }
0x3d: {  	[dreg:$0x0] =	wrdreg $0xFFFFFFFF;
	(pc) =	sbr.abs _section_cstart, $3  }
0x3e: {  	[dreg:$0x1] =	wrdreg $0xFFFFFFFF  }
0x3f: {  	_ =	task.clear_ibuf [dreg:s7], $0x2FFFF;
	_ =	strace $0x9FFFFFFF  }
0x40: {  	(tm) =	ssettm $0x7FFFFFFF  }
0x41: {  	_ =	shalt  }
tec
execute0_lowered:
.L_overlay_start_1:
0x0: {  	(tag) =	ssettag $0x1  }
0x1: {  	s4 =	rddreg [dreg:$0x0]  }
0x2: {  	s0 =	stileid.u32;
	s2 =	rddreg [dreg:$0x1]  }
0x3: {  	s7 =	srdreg.scid;
	s8 =	simm.s32 $0x2;
	s16 =	simm.s32 $0x0  }
0x4: {  	s9 =	simm.s32 $0x2000;
	s15 =	simm.s32 $0x0;
	s1 =	sshll.u32 s0, $0x7  }
0x5: {  	s10 =	simm.s32 $0x0;
	s11 =	simm.s32 $0x0;
	s3 =	sand.u32 $0x380, s1  }
0x6: {  	s14 =	simm.s32 $0x0;
	s7 =	sshll.u32 s7, $0x4;
	s5 =	ssub.s32 $0x400, s3  }
0x7: {  	s4 =	sadd.s32 $0x12DC00, s4;
	s1 =	rddreg [dreg:$0x2];
	s6 =	sand.u32 $0x380, s5  }
0x8: {  	s7 =	sand.u32 $0x10, s7;
	p0 =	sne.s32 s6, $0x0;
	s6 =	simm.s32 $0x1  }
.Ltmp0:
0x9: {  	s5 =	sshrl.u32 s5, $0xA;
	s6 =	simm.s32 @!p0 $0x0;
	(pc) =	sbr.rel .LBB1_1-.Ltmp0, $4  }
0xa: {  	_ =	strace $0x8000004A;
	s7 =	sor.u32 s0, s7;
	s6 =	sadd.s32 s6, s5  }
0xb: {  	s7 =	sshrl.u32 s7, $0x3;
	s5 =	simm.s32 $0x1;
	s6 =	smul.u32 $0x32, s6  }
0xc: {  	s13 =	smov.u32 s3;
	s12 =	smov.u32 s7;
	[sflag:s5] =	ssyncpa.u1 $0x0  }
0xd: {  	p0 =	por $0x0, $0x0;
	[sflag:s8] =	ssyncpa.u1 $0x0;
	s8 =	sor.u32 $0x1, s6  }
.LBB1_4:
0xe: {  	s21 =	sshra.s32 s21, $0x2  }
0xf: {  	v5 =	vld [tilespmem:s18+$0xFFFFFFD0];
	s30 =	sshrl.u32 s11, $0x7;
	p1 =	sgt.s32 s10, $0xC7;
	s22 =	smov.u32 s10  }
0x10: {  	[tilespmem:s19+$0x2040 ss:$0x81] =	vst.msk $0xffff, v4;
	s23 =	sshra.s32 s10, $0x1F;
	v58 =	vld [tilespmem:s18+$0xFFFFFFE0];
	s25 =	sshra.s32 s11, $0x1F;
	s27 =	smul.u32 $0x3000, s10  }
0x11: {  	[tilespmem:s19+$0x2850 ss:$0x81] =	vst.msk $0xffff, v3;
	v59 =	vld [tilespmem:s18+$0xFFFFFFF0];
	s28 =	sshrl.u32 s11, $0x3;
	s20 =	sadd.s32 s21, s20;
	s21 =	sand.u32 $0x3FFFFF, s30  }
0x12: {  	[tilespmem:s19+$0x3060 ss:$0x81] =	vst.msk $0xffff, v2;
	v60 =	vld [tilespmem:s18+$0x0];
	s22 =	simm.s32 @!p1 $0xC7;
	s23 =	sand.u32 s23, s10;
	p1 =	sgt.s32 s11, $0x380  }
0x13: {  	[tilespmem:s19+$0x0 ss:$0x81] =	vst.msk $0xffff, v1;
	v61 =	vld [tilespmem:s18+$0x10];
	s25 =	sand.u32 s25, s11;
	s22 =	ssub.s32 s22, s23;
	s23 =	smov.u32 s11  }
0x14: {  	s24 =	smulhi.u32 $0x2AAAAAB, s21;
	[tilespmem:s20+$0x3870 ss:$0x81] =	vst.msk $0xffff, v0;
	s31 =	ssub.s32 $0xC8, s22;
	s23 =	simm.s32 @!p1 $0x380  }
0x15: {  	v62 =	vld [tilespmem:s18+$0x20];
	s22 =	sadd.s32 $0xFFFFFF39, s22;
	s23 =	ssub.s32 s23, s25;
	s19 =	smul.u32 $0x60, s31;
	[tilespmem:s20+$0x810 ss:$0x81] =	vst.msk $0xffff, v5  }
0x16: {  	v63 =	vld [tilespmem:s18+$0xFFFFFFC0];
	s24 =	smul.u32 $0x60, s24;
	p1 =	sgt.s32 s22, $0x0;
	s26 =	sadd.s32 $0xFFFFFC80, s23;
	[tilespmem:s20+$0x1020 ss:$0x81] =	vst.msk $0xffff, v58  }
0x17: {  	s18 =	ssub.s32 $0x400, s23;
	[tilespmem:s20+$0x1830 ss:$0x81] =	vst.msk $0xffff, v59;
	s19 =	simm.s32 @p1 $0x0;
	p1 =	sgt.s32 s26, $0x7F  }
0x18: {  	s29 =	sand.u32 $0x7, s11;
	s22 =	sadd.s32 s2, s27;
	[tilespmem:s20+$0x2040 ss:$0x81] =	vst.msk $0xffff, v60;
	s18 =	simm.s32 @p1 $0x0  }
0x19: {  	[tilespmem:s20+$0x2850 ss:$0x81] =	vst.msk $0xffff, v61;
	s21 =	ssub.s32 s21, s24;
	s18 =	smul.u32 s18, s19;
	s19 =	sand.u32 $0xF, s28  }
0x1a: {  	s30 =	sshll.u32 s29, $0x12;
	[tilespmem:s20+$0x3060 ss:$0x81] =	vst.msk $0xffff, v62;
	s21 =	sshll.u32 s21, $0x7;
	s19 =	sadd.s32 s19, s22  }
0x1b: {  	s31 =	sor.u32 $0x400, s30;
	[tilespmem:s20+$0x0 ss:$0x81] =	vst.msk $0xffff, v63;
	s18 =	sand.u32 $0x3FFFFFE0, s18;
	s19 =	sadd.s32 s21, s19  }
0x1c: {  	[hbm4b:s19+s31] =	stream.strided.scatter [tilespmem:s17], [sflag:$0x2], s18, s9, s31, $0x20;
	[tilespmem:$0x10100] =	vst v63  }
.LBB1_5:
0x1d: {  	p1 =	slt.u32 s14, $0x2  }
0x1e: {  	s18 =	smov.u32 s16;
	p2 =	sgt.s32 @!p1 s16, $0xC7;
	s17 =	sshra.s32 @!p1 s16, $0x1F  }
0x1f: {  	p3 =	sgt.s32 @!p1 s15, $0x380;
	s19 =	sshra.s32 @!p1 s15, $0x1F;
	p2 =	por !p2, p1  }
0x20: {  	s16 =	sand.u32 @!p1 s17, s16;
	p3 =	por !p3, p1;
	s17 =	smov.u32 s15  }
0x21: {  	s15 =	sand.u32 @!p1 s19, s15;
	s18 =	simm.s32 @p2 $0xC7;
	s17 =	simm.s32 @p3 $0x380  }
0x22: {  	s19 =	smov.u32 s13;
	s16 =	ssub.s32 @!p1 s18, s16;
	s15 =	ssub.s32 @!p1 s17, s15  }
0x23: {  	s17 =	sadd.s32 @!p1 $0xFFFFFF39, s16;
	s16 =	ssub.s32 @!p1 $0xC8, s16;
	s18 =	sadd.s32 @!p1 $0xFFFFFC80, s15  }
0x24: {  	p2 =	sgt.s32 @!p1 s17, $0x0;
	s16 =	smul.u32 @!p1 $0x60, s16;
	p3 =	sgt.s32 @!p1 s18, $0x7F  }
0x25: {  	s15 =	ssub.s32 @!p1 $0x400, s15;
	p2 =	por !p2, p1;
	p3 =	por !p3, p1  }
0x26: {  	s17 =	sadd.s32 $0x4, s12;
	s16 =	simm.s32 @!p2 $0x0;
	s15 =	simm.s32 @!p3 $0x0  }
0x27: {  	p2 =	sgt.s32 s17, $0xC7;
	s15 =	smul.u32 @!p1 s15, s16;
	s16 =	sadd.s32 $0x400, s13  }
0x28: {  	s19 =	smov.u32 @p2 s16  }
0x29: {  	s17 =	smov.u32 @p2 s7;
	p2 =	sgt.s32 s19, $0x3FF  }
0x2a: {  	s19 =	smov.u32 @p2 s3;
	p2 =	sne.s32 s14, s8  }
.Ltmp1:
0x2b: {  	p0 =	por !p0, !p0;
	s18 =	simm.s32 @!p1 $0x2;
	(pc) =	sbr.rel @!p2 .LBB1_6-.Ltmp1, $4  }
0x2c: {  	s16 =	smov.u32 s10;
	s10 =	smov.u32 s12;
	s15 =	sand.u32 @!p1 $0x3FFFFFE0, s15  }
0x2d: {  	s12 =	smov.u32 s17;
	_ =	swait.ge @!p1 [sflag:s18], s15;
	s20 =	ssub.s32 @!p1 $0x0, s15  }
0x2e: {  	s15 =	smov.u32 s11;
	s14 =	sadd.s32 $0x1, s14;
	[sflag:s18] =	ssyncset.done @!p1 $0x0  }
0x2f: {  	s11 =	smov.u32 s13;
	s13 =	smov.u32 s19;
	[sflag:s18] =	ssyncadd.s32 @!p1 s20  }
.LBB1_1:
0x30: {  	p1 =	sge.u32 s14, s6  }
0x31: {  	s17 =	sand.u32 @!p1 $0x1FFFFFF, s12  }
0x32: {  	s18 =	smulhi.u32 @!p1 $0x147AE15, s17;
	_ =	sdelay $0x1  }
0x33: {  	s18 =	smul.u32 @!p1 $0xC8, s18  }
0x34: {  	s19 =	sxor.u32 @!p1 $0xFFFFFFFF, s14;
	s20 =	smul.u32 @!p1 $0xC80, s13  }
0x35: {  	s31 =	sadd.s32 $0xFFFFFFFF, s14;
	s19 =	sshll.u32 @!p1 s19, $0xE;
	s17 =	ssub.s32 @!p1 s17, s18  }
0x36: {  	s18 =	sand.u32 @!p1 $0x4000, s19;
	s19 =	sadd.s32 @!p1 s4, s20;
	s17 =	sshll.u32 @!p1 s17, $0x4  }
0x37: {  	s20 =	simm.s32 @!p1 $0x6400;
	s17 =	sadd.s32 @!p1 s17, s19;
	s19 =	simm.s32 @!p1 $0x80  }
0x38: {  	[tilespmem:s18], [sflag:$0x1] =	stream.strided.gather @!p1 [hbm4b:s17+s19], $0x4000, s20, s19, $0x38;
	[tilespmem:$0x10100] =	vst v63  }
0x39: {  	p1 =	sge.u32 s31, s6  }
.Ltmp2:
0x3a: {  	_ = 	snop;
	(pc) =	sbr.rel @p1 .LBB1_5-.Ltmp2, $1  }
0x3b: {  	_ =	sdelay $0x3  }
0x3c: {  	s17 =	simm.s32 $0x1  }
0x3d: {  	_ =	swait.ge [sflag:s5], $0x4000;
	s17 =	simm.s32 @!p0 $0x0  }
0x3e: {  	[sflag:s5] =	ssyncset.done $0x0;
	s18 =	sshll.u32 s17, $0xE  }
0x3f: {  	[sflag:s5] =	ssyncadd.s32 $0xFFFFC000;
	s18 =	sor.u32 $0x40, s18  }
0x40: {  	s17 =	smul.u32 $0x10200, s17;
	v0 =	vld [tilespmem:s18+$0x30]  }
0x41: {  	v1 =	vld [tilespmem:s18+$0xFFFFFFD0]  }
0x42: {  	s17 =	sshrl.u32 s17, $0x2;
	v5 =	vld [tilespmem:s18+$0xFFFFFFE0]  }
0x43: {  	v6 =	vld [tilespmem:s18+$0xFFFFFFF0];
	s20 =	sor.u32 $0x8000, s17  }
0x44: {  	s31 =	sand.u32 $0x1, s14;
	v4 =	vld [tilespmem:s18+$0x0];
	s19 =	sadd.s32 $0x0, s20  }
0x45: {  	v3 =	vld [tilespmem:s18+$0x10];
	s17 =	smul.u32 $0x10200, s31;
	[tilespmem:s19+$0x3870 ss:$0x81] =	vst.msk $0xffff, v0  }
0x46: {  	v2 =	vld [tilespmem:s18+$0x20];
	[tilespmem:s19+$0x810 ss:$0x81] =	vst.msk $0xffff, v1  }
0x47: {  	s17 =	sshrl.u32 s17, $0x2;
	v1 =	vld [tilespmem:s18+$0xFFFFFFC0];
	[tilespmem:s19+$0x1020 ss:$0x81] =	vst.msk $0xffff, v5;
	s18 =	sadd.s32 $0x80, s18  }
0x48: {  	s21 =	simm.s32 $0x4;
	s22 =	simm.s32 $0x8;
	s17 =	sor.u32 $0x8000, s17;
	[tilespmem:s19+$0x1830 ss:$0x81] =	vst.msk $0xffff, v6;
	v0 =	vld [tilespmem:s18+$0x30]  }
.LBB1_3:
0x49: {  	p1 =	sne.s32 s22, $0x1FC;
	v5 =	vld [tilespmem:s18+$0xFFFFFFD0];
	[tilespmem:s19+$0x2040 ss:$0x81] =	vst.msk $0xffff, v4  }
0x4a: {  	v6 =	vld [tilespmem:s18+$0xFFFFFFE0];
	[tilespmem:s19+$0x2850 ss:$0x81] =	vst.msk $0xffff, v3  }
0x4b: {  	s23 =	sshra.s32 s21, $0x2;
	s21 =	smov.u32 s22;
	v7 =	vld [tilespmem:s18+$0xFFFFFFF0];
	[tilespmem:s19+$0x3060 ss:$0x81] =	vst.msk $0xffff, v2  }
.Ltmp3:
0x4c: {  	v4 =	vld [tilespmem:s18+$0x0];
	[tilespmem:s19+$0x0 ss:$0x81] =	vst.msk $0xffff, v1;
	s19 =	sadd.s32 s23, s20;
	(pc) =	sbr.rel @p1 .LBB1_3-.Ltmp3, $4  }
0x4d: {  	v3 =	vld [tilespmem:s18+$0x10];
	[tilespmem:s19+$0x3870 ss:$0x81] =	vst.msk $0xffff, v0  }
0x4e: {  	[tilespmem:s19+$0x810 ss:$0x81] =	vst.msk $0xffff, v5;
	v2 =	vld [tilespmem:s18+$0x20]  }
0x4f: {  	v1 =	vld [tilespmem:s18+$0xFFFFFFC0];
	[tilespmem:s19+$0x1020 ss:$0x81] =	vst.msk $0xffff, v6;
	s18 =	sadd.s32 $0x80, s18  }
0x50: {  	s22 =	sadd.s32 $0x4, s22;
	v0 =	vld [tilespmem:s18+$0x30];
	[tilespmem:s19+$0x1830 ss:$0x81] =	vst.msk $0xffff, v7  }
.Ltmp4:
0x51: {  	_ = 	snop;
	(pc) =	sbr.rel .LBB1_4-.Ltmp4, $1  }
0x52: {  	_ =	sdelay $0x3  }
.LBB1_6:
0x53: {  	_ =	sfence.sel $0x180000  }
0x54: {  	s2 =	simm.s32 $0x1;
	[bflag:$0x0] =	sbarrier.arrive $0xFFFF  }
0x55: {  	s31 =	simm.s32 $0x2;
	[sflag:s2] =	ssyncpa.u1 $0x1  }
0x56: {  	[sflag:s31] =	ssyncpa.u1 $0x1  }
0x57: {  	p0 =	sne.s32 s0, $0x0;
	_ =	strace $0x9000004A  }
0x58: {  	s0 =	sadd.s32 @!p0 $0x100000, s1;
	[bflag:$0x2] =	sbarrier.arrive $0xFFFF  }
0x59: {  	[sflag:s0] =	ssyncadd.tile.s32 @!p0 $0x1;
	_ =	shalt  }
.Lfunc_end1:
_tile_overlayer_lowered:
.L_overlay_start_2:
0x5a: {  	(tag) =	ssettag $0x2  }
0x5b: {  	s0 =	rddreg [dreg:$0x0];
	s2 =	stileid.u32  }
0x5c: {  	s1 =	rddreg [dreg:$0x1];
	p0 =	sne.s32 s2, $0x0  }
0x5d: {  	s3 =	rddreg [dreg:$0x2];
	[bflag:$0x3] =	sbarrier.arrive $0xFFFF;
	s2 =	simm.s32 @!p0 $0x1C01  }
0x5e: {  	[timem:s3], [sflag:s2] =	dma.local @!p0 [hbm:s0], s1  }
0x5f: {  	s0 =	simm.s32 @!p0 $0x1  }
0x60: {  	_ =	swait.ge @!p0 [sflag:s0], s1  }
0x61: {  	s1 =	ssub.s32 @!p0 $0x0, s1;
	[sflag:s0] =	ssyncset.done @!p0 $0x0  }
0x62: {  	[sflag:s0] =	ssyncadd.s32 @!p0 s1  }
0x63: {  	[bflag:$0x3] =	sbarrier.arrive $0xFFFF  }
0x64: {  	_ =	shalt  }

</sc_bundles>
